<compile_context>
chip_gen: v7x
topology: tpu7x:2x2x1
jax: 0.10.2.dev20260603
libtpu: 0.0.44.dev20260713+nightly
codegen_flags: <defaults>
</compile_context>

<pallas_src>
import jax
import jax.numpy as jnp
from jax import lax
from jax.experimental import pallas as pl
from jax.experimental.pallas import tpu as pltpu
from jax.experimental.pallas import tpu_sc as plsc

N_DIM = 64
PADDING = 20
PACK = 4
PACKW = PACK * PADDING
BATCH = 16384
LANES = 16
BPW = BATCH // 32
CHUNK = 128
NCH = BPW // CHUNK


def _fasttext_body(x_hbm, wts_hbm, ez_hbm, ev_hbm, y_hbm,
                   xs_v, idx1_v, idxb_v, idx2_v, wts_v, cols_v, u_v, v_v, y_v,
                   sem_x, sems_w, sems_v, sems_z):
    wid = lax.axis_index("s") * 2 + lax.axis_index("c")
    base = wid * BPW
    iota = lax.iota(jnp.int32, LANES)
    zeros16 = jnp.zeros((LANES,), jnp.float32)
    bpc = CHUNK // LANES

    scope = jax.named_scope
    with scope("xsplit"):
        pltpu.async_copy(x_hbm.at[pl.ds(base, BPW)], xs_v, sem_x).wait()

    def split_x(i, c):
        ch = i // bpc
        off = (i % bpc) * LANES
        rows = i * LANES + iota
        x1v = plsc.load_gather(xs_v, [rows, jnp.zeros((LANES,), jnp.int32)])
        x2v = plsc.load_gather(xs_v, [rows, jnp.ones((LANES,), jnp.int32)])
        idx1_v[ch, pl.ds(off, LANES)] = x1v
        idxb_v[ch, pl.ds(off, LANES)] = x1v >> 2
        idx2_v[ch, pl.ds(off, LANES)] = x2v
        return c

    lax.fori_loop(0, BPW // LANES, split_x, 0)

    def fire_rows(c, _):
        pltpu.async_copy(wts_hbm.at[idxb_v.at[c]],
                         wts_v.at[pl.ds(c * CHUNK, CHUNK)], sems_w.at[c])
        pltpu.async_copy(ev_hbm.at[idx2_v.at[c]],
                         v_v.at[pl.ds(c * CHUNK, CHUNK)], sems_v.at[c])
        return _

    with scope("fire_rows"):
        lax.fori_loop(0, NCH, fire_rows, 0)

    def zero_row(i, c):
        for k in range(N_DIM // LANES):
            u_v[i, pl.ds(k * LANES, LANES)] = zeros16
        return c

    with scope("zero"):
        lax.fori_loop(0, BPW, zero_row, 0)

    def stage_chunk(c, _):
        pltpu.make_async_copy(wts_hbm.at[idxb_v.at[c]],
                              wts_v.at[pl.ds(c * CHUNK, CHUNK)],
                              sems_w.at[c]).wait()

        def build_cols(j, carry):
            i = c * bpc + j
            rows = i * LANES + iota
            off = j * LANES
            x1v = idx1_v[c, pl.ds(off, LANES)]
            colbase = (x1v & (PACK - 1)) * PADDING

            def one_col(p, cc):
                vals = plsc.load_gather(wts_v, [rows, colbase + p])
                cols_v[p * NCH + c, pl.ds(off, LANES)] = vals
                return cc

            lax.fori_loop(0, PADDING, one_col, 0)
            return carry

        lax.fori_loop(0, bpc, build_cols, 0)

        def fire_bag(p, cc):
            pltpu.async_copy(ez_hbm.at[cols_v.at[p * NCH + c]],
                             u_v.at[pl.ds(c * CHUNK, CHUNK)],
                             sems_z.at[c], add=True)
            return cc

        lax.fori_loop(0, PADDING, fire_bag, 0)
        return _

    with scope("stage_chunks"):
        lax.fori_loop(0, NCH, stage_chunk, 0)

    last_lane = iota == (LANES - 1)

    def dot_row(b, c):
        acc = zeros16
        for k in range(N_DIM // LANES):
            sl = pl.ds(k * LANES, LANES)
            acc = acc + u_v[b, sl] * v_v[b, sl]
        s = plsc.cumsum(acc)
        plsc.store_scatter(y_v, [jnp.full((LANES,), 0, jnp.int32) + b], s,
                           mask=last_lane)
        return c

    def finish_chunk(c, _):
        def drain(p, cc):
            pltpu.make_async_copy(ez_hbm.at[cols_v.at[p * NCH + c]],
                                  u_v.at[pl.ds(c * CHUNK, CHUNK)],
                                  sems_z.at[c]).wait()
            return cc

        lax.fori_loop(0, PADDING, drain, 0)
        pltpu.make_async_copy(ev_hbm.at[idx2_v.at[c]],
                              v_v.at[pl.ds(c * CHUNK, CHUNK)],
                              sems_v.at[c]).wait()
        lax.fori_loop(c * CHUNK, (c + 1) * CHUNK, dot_row, 0)
        return _

    with scope("drain_dot"):
        lax.fori_loop(0, NCH, finish_chunk, 0)

    pltpu.sync_copy(y_v, y_hbm.at[pl.ds(base, BPW)])


@jax.jit
def kernel(x, word_to_sub, embedding_z, embedding_v):
    wts_packed = word_to_sub.reshape(word_to_sub.shape[0] // PACK, PACKW)
    mesh = plsc.VectorSubcoreMesh(core_axis_name="c", subcore_axis_name="s",
                                  num_cores=2, num_subcores=16)
    kfn = pl.kernel(
        _fasttext_body,
        out_type=jax.ShapeDtypeStruct((BATCH,), jnp.float32),
        mesh=mesh,
        scratch_types=[
            pltpu.VMEM((BPW, 2), jnp.int32),
            pltpu.VMEM((NCH, CHUNK), jnp.int32),
            pltpu.VMEM((NCH, CHUNK), jnp.int32),
            pltpu.VMEM((NCH, CHUNK), jnp.int32),
            pltpu.VMEM((BPW, PACKW), jnp.int32),
            pltpu.VMEM((PADDING * NCH, CHUNK), jnp.int32),
            pltpu.VMEM((BPW, N_DIM), jnp.float32),
            pltpu.VMEM((BPW, N_DIM), jnp.float32),
            pltpu.VMEM((BPW,), jnp.float32),
            pltpu.SemaphoreType.DMA,
            pltpu.SemaphoreType.DMA((NCH,)),
            pltpu.SemaphoreType.DMA((NCH,)),
            pltpu.SemaphoreType.DMA((NCH,)),
        ],
        compiler_params=pltpu.CompilerParams(needs_layout_passes=False,
                                             use_tc_tiling_on_sc=False),
    )
    return kfn(x, wts_packed, embedding_z, embedding_v)

# --- scband reference (transcript-rebuilt; emitter-appended) ---
"""Pipeline reference for scband-fast-text-31714038514142 (READ-ONLY COPY).

The authoritative reference and input builder live on the scoring server;
editing this copy changes nothing except your own understanding.
"""

import jax, jax.numpy as jnp
import numpy as np

N_VOCAB = 100000
N_SUBVOCAB = 50000
N_DIM = 64
PADDING = 20
BATCH = 16384

def setup_inputs(seed: int = 0) -> dict:
    key = jax.random.key(seed)
    k1, k2, k3, k4 = jax.random.split(key, 4)
    # forward arg: batch of (center_word_idx, context_word_idx) pairs
    x = jax.random.randint(k1, (BATCH, 2), 0, N_VOCAB, dtype=jnp.int32)
    # global wordix_to_subix mapping materialized as a dense padded table:
    # each word maps to PADDING subword indices (pad index = N_SUBVOCAB)
    word_to_sub = jax.random.randint(k2, (N_VOCAB, PADDING), 0, N_SUBVOCAB + 1, dtype=jnp.int32)
    # learned parameters
    embedding_z = jax.random.normal(k3, (N_SUBVOCAB + 1, N_DIM), dtype=jnp.float32) * 0.02  # EmbeddingBag table (sum mode)
    embedding_v = jax.random.normal(k4, (N_VOCAB, N_DIM), dtype=jnp.float32) * 0.02         # context word Embedding table
    return {"x": x, "word_to_sub": word_to_sub, "embedding_z": embedding_z, "embedding_v": embedding_v}

def reference(x, word_to_sub, embedding_z, embedding_v):
    # x_1, x_2 = x.T  -> center word ids, context word ids
    x1 = x[:, 0]
    x2 = x[:, 1]
    # get_subwords: wordix -> padded list of subword indices
    sub_idx = jnp.take(word_to_sub, x1, axis=0)  # [B, PADDING]
    # EmbeddingBag(mode='sum'): gather subword vectors and sum over the bag
    sub_vecs = jnp.take(embedding_z, sub_idx.reshape(-1), axis=0)
    sub_vecs = sub_vecs.reshape(x.shape[0], PADDING, embedding_z.shape[1])
    u = jnp.sum(sub_vecs, axis=1)  # [B, d]
    # embedding_v lookup for context words
    v = jnp.take(embedding_v, x2, axis=0)  # [B, d]
    # y = (u * v).sum over feature dim (skip-gram dot-product scores)
    y = jnp.sum(u * v, axis=1)  # [B]
    return y

if __name__ == "__main__":
    import jax
    _d = setup_inputs()
    print(jax.jit(kernel)(*tuple(_d.values())))

</pallas_src>

<mosaic_0001>
#map = affine_map<(d0, d1) -> (0, 0)>
#map1 = affine_map<(d0, d1) -> (0)>
module attributes {stable_mosaic.version = 14 : i64} {
  func.func @_fasttext_body(%arg0: i32, %arg1: i32, %arg2: memref<16384x2xi32, #tpu.memory_space<hbm>>, %arg3: memref<25000x80xi32, #tpu.memory_space<hbm>>, %arg4: memref<50001x64xf32, #tpu.memory_space<hbm>>, %arg5: memref<100000x64xf32, #tpu.memory_space<hbm>>, %arg6: memref<16384xf32, #tpu.memory_space<hbm>>, %arg7: memref<512x2xi32, #tpu.memory_space<vmem>>, %arg8: memref<4x128xi32, #tpu.memory_space<vmem>>, %arg9: memref<4x128xi32, #tpu.memory_space<vmem>>, %arg10: memref<4x128xi32, #tpu.memory_space<vmem>>, %arg11: memref<512x80xi32, #tpu.memory_space<vmem>>, %arg12: memref<80x128xi32, #tpu.memory_space<vmem>>, %arg13: memref<512x64xf32, #tpu.memory_space<vmem>>, %arg14: memref<512x64xf32, #tpu.memory_space<vmem>>, %arg15: memref<512xf32, #tpu.memory_space<vmem>>, %arg16: memref<!tpu.dma_semaphore, #tpu.memory_space<semaphore_mem>>, %arg17: memref<4x!tpu.dma_semaphore, #tpu.memory_space<semaphore_mem>>, %arg18: memref<4x!tpu.dma_semaphore, #tpu.memory_space<semaphore_mem>>, %arg19: memref<4x!tpu.dma_semaphore, #tpu.memory_space<semaphore_mem>>) attributes {dimension_semantics = [#tpu.dimension_semantics<core_parallel>, #tpu.dimension_semantics<subcore_parallel>], iteration_bounds = array<i64: 2, 16>, scalar_prefetch = 0 : i64, scratch_operands = 13 : i64, tpu.core_type = #tpu.core_type<sc_vector_subcore>, window_params = [{transform_indices = #map}, {transform_indices = #map}, {transform_indices = #map}, {transform_indices = #map}, {transform_indices = #map1}]} {
    %mul3A = arith.constant 2 : i32
    %mul3A_0 = arith.muli %arg1, %mul3A : i32
    %add3A = arith.addi %mul3A_0, %arg0 : i32
    %mul3A_1 = arith.constant 512 : i32
    %mul3A_2 = arith.muli %add3A, %mul3A_1 : i32
    %iota3A = tpu.iota {dimensions = array<i32: 0>} : vector<16xi32>
    %broadcast_in_dim3A = arith.constant 0.000000e+00 : f32
    %broadcast_in_dim3A_3 = vector.broadcast %broadcast_in_dim3A : f32 to vector<16xf32>
    "tpu.trace_start"() <{level = 10 : i32, message = "xsplit"}> : () -> ()
    %dma_start3A = arith.constant 0 : i32
    %dma_start3A_4 = tpu.memref_slice %arg2[%mul3A_2, %dma_start3A] : memref<16384x2xi32, #tpu.memory_space<hbm>> -> memref<512x2xi32, #tpu.memory_space<hbm>>
    %dma_start3A_5 = arith.constant 0 : i32
    %dma_start3A_6 = tpu.memref_slice %arg2[%mul3A_2, %dma_start3A_5] : memref<16384x2xi32, #tpu.memory_space<hbm>> -> memref<512x2xi32, #tpu.memory_space<hbm>>
    tpu.enqueue_dma source(%dma_start3A_6 : memref<512x2xi32, #tpu.memory_space<hbm>>) target(%arg7 : memref<512x2xi32, #tpu.memory_space<vmem>>) target_semaphore(%arg16 : memref<!tpu.dma_semaphore, #tpu.memory_space<semaphore_mem>>)
    %dma_wait3A = arith.constant 0 : i32
    %dma_wait3A_7 = tpu.memref_slice %arg2[%mul3A_2, %dma_wait3A] : memref<16384x2xi32, #tpu.memory_space<hbm>> -> memref<512x2xi32, #tpu.memory_space<hbm>>
    %dma_wait3A_8 = arith.constant 0 : i32
    %dma_wait3A_9 = tpu.memref_slice %arg2[%mul3A_2, %dma_wait3A_8] : memref<16384x2xi32, #tpu.memory_space<hbm>> -> memref<512x2xi32, #tpu.memory_space<hbm>>
    tpu.wait_dma2 semaphore(%arg16 : memref<!tpu.dma_semaphore, #tpu.memory_space<semaphore_mem>>) src(%dma_wait3A_9 : memref<512x2xi32, #tpu.memory_space<hbm>>) dst(%arg7 : memref<512x2xi32, #tpu.memory_space<vmem>>)
    "tpu.trace_stop"() : () -> ()
    %scan3A = arith.constant 0 : i32
    %scan3A_10 = arith.constant 0 : i32
    %scan3A_11 = arith.constant 32 : i32
    %scan3A_12 = arith.addi %scan3A_10, %scan3A_11 : i32
    %scan3A_13 = arith.constant 1 : i32
    scf.for %scan3A_41 = %scan3A_10 to %scan3A_12 step %scan3A_13  : i32 {
      %jit3A = arith.constant 8 : i32
      %div3A = arith.divsi %scan3A_41, %jit3A : i32
      %sign3A = arith.constant 0 : i32
      %sign3A_42 = arith.cmpi sgt, %scan3A_41, %sign3A : i32
      %sign3A_43 = arith.extui %sign3A_42 : i1 to i32
      %sign3A_44 = arith.constant 0 : i32
      %sign3A_45 = arith.cmpi slt, %scan3A_41, %sign3A_44 : i32
      %sign3A_46 = arith.extui %sign3A_45 : i1 to i32
      %sign3A_47 = arith.subi %sign3A_43, %sign3A_46 : i32
      %sign3A_48 = arith.constant 0 : i32
      %sign3A_49 = arith.cmpi sgt, %jit3A, %sign3A_48 : i32
      %sign3A_50 = arith.extui %sign3A_49 : i1 to i32
      %sign3A_51 = arith.constant 0 : i32
      %sign3A_52 = arith.cmpi slt, %jit3A, %sign3A_51 : i32
      %sign3A_53 = arith.extui %sign3A_52 : i1 to i32
      %sign3A_54 = arith.subi %sign3A_50, %sign3A_53 : i32
      %ne3A = arith.cmpi ne, %sign3A_47, %sign3A_54 : i32
      %rem3A = arith.remsi %scan3A_41, %jit3A : i32
      %ne3A_55 = arith.constant 0 : i32
      %ne3A_56 = arith.cmpi ne, %rem3A, %ne3A_55 : i32
      %and3A = arith.andi %ne3A, %ne3A_56 : i1
      %sub3A = arith.constant 1 : i32
      %sub3A_57 = arith.subi %div3A, %sub3A : i32
      %select_n3A = arith.select %and3A, %sub3A_57, %div3A : i32
      %jit3A_58 = arith.constant 8 : i32
      %eq3A_59 = arith.constant 0 : i32
      %eq3A_60 = arith.cmpi eq, %jit3A_58, %eq3A_59 : i32
      %jit3A_61 = arith.constant 1 : i32
      %select_n3A_62 = arith.select %eq3A_60, %jit3A_61, %jit3A_58 : i32
      %rem3A_63 = arith.remsi %scan3A_41, %select_n3A_62 : i32
      %ne3A_64 = arith.constant 0 : i32
      %ne3A_65 = arith.cmpi ne, %rem3A_63, %ne3A_64 : i32
      %lt3A = arith.constant 0 : i32
      %lt3A_66 = arith.cmpi slt, %rem3A_63, %lt3A : i32
      %lt3A_67 = arith.constant 0 : i32
      %lt3A_68 = arith.cmpi slt, %select_n3A_62, %lt3A_67 : i32
      %ne3A_69 = arith.xori %lt3A_66, %lt3A_68 : i1
      %and3A_70 = arith.andi %ne3A_69, %ne3A_65 : i1
      %add3A_71 = arith.addi %rem3A_63, %select_n3A_62 : i32
      %select_n3A_72 = arith.select %and3A_70, %add3A_71, %rem3A_63 : i32
      %mul3A_73 = arith.constant 16 : i32
      %mul3A_74 = arith.muli %select_n3A_72, %mul3A_73 : i32
      %mul3A_75 = arith.constant 16 : i32
      %mul3A_76 = arith.muli %scan3A_41, %mul3A_75 : i32
      %add3A_77 = vector.broadcast %mul3A_76 : i32 to vector<16xi32>
      %add3A_78 = arith.addi %add3A_77, %iota3A : vector<16xi32>
      %broadcast_in_dim3A_79 = arith.constant 0 : i32
      %broadcast_in_dim3A_80 = vector.broadcast %broadcast_in_dim3A_79 : i32 to vector<16xi32>
      %gather3A = tpu.vector_load_idx %arg7[%add3A_78, %broadcast_in_dim3A_80] : memref<512x2xi32, #tpu.memory_space<vmem>>[vector<16xi32>, vector<16xi32>], vector<16xi32>,
      %broadcast_in_dim3A_81 = arith.constant 1 : i32
      %broadcast_in_dim3A_82 = vector.broadcast %broadcast_in_dim3A_81 : i32 to vector<16xi32>
      %gather3A_83 = tpu.vector_load_idx %arg7[%add3A_78, %broadcast_in_dim3A_82] : memref<512x2xi32, #tpu.memory_space<vmem>>[vector<16xi32>, vector<16xi32>], vector<16xi32>,
      %swap3A = arith.index_cast %select_n3A : i32 to index
      %swap3A_84 = arith.index_cast %mul3A_74 : i32 to index
      %swap3A_85 = tpu.vector_load %arg8[%swap3A, %swap3A_84] {strides = array<i32>} : memref<4x128xi32, #tpu.memory_space<vmem>>, vector<16xi32>,
      tpu.vector_store %arg8[%swap3A, %swap3A_84], %gather3A {strides = array<i32>} : memref<4x128xi32, #tpu.memory_space<vmem>>, vector<16xi32>,
      %shift_right_arithmetic3A = arith.constant 2 : i32
      %shift_right_arithmetic3A_86 = vector.broadcast %shift_right_arithmetic3A : i32 to vector<16xi32>
      %shift_right_arithmetic3A_87 = arith.shrsi %gather3A, %shift_right_arithmetic3A_86 : vector<16xi32>
      %swap3A_88 = arith.index_cast %select_n3A : i32 to index
      %swap3A_89 = arith.index_cast %mul3A_74 : i32 to index
      %swap3A_90 = tpu.vector_load %arg9[%swap3A_88, %swap3A_89] {strides = array<i32>} : memref<4x128xi32, #tpu.memory_space<vmem>>, vector<16xi32>,
      tpu.vector_store %arg9[%swap3A_88, %swap3A_89], %shift_right_arithmetic3A_87 {strides = array<i32>} : memref<4x128xi32, #tpu.memory_space<vmem>>, vector<16xi32>,
      %swap3A_91 = arith.index_cast %select_n3A : i32 to index
      %swap3A_92 = arith.index_cast %mul3A_74 : i32 to index
      %swap3A_93 = tpu.vector_load %arg10[%swap3A_91, %swap3A_92] {strides = array<i32>} : memref<4x128xi32, #tpu.memory_space<vmem>>, vector<16xi32>,
      tpu.vector_store %arg10[%swap3A_91, %swap3A_92], %gather3A_83 {strides = array<i32>} : memref<4x128xi32, #tpu.memory_space<vmem>>, vector<16xi32>,
    }
    %scan3A_14 = arith.constant 32 : i32
    "tpu.trace_start"() <{level = 10 : i32, message = "fire_rows"}> : () -> ()
    %scan3A_15 = arith.constant 0 : i32
    %scan3A_16 = arith.constant 0 : i32
    %scan3A_17 = arith.constant 4 : i32
    %scan3A_18 = arith.addi %scan3A_16, %scan3A_17 : i32
    %scan3A_19 = arith.constant 1 : i32
    scf.for %scan3A_41 = %scan3A_16 to %scan3A_18 step %scan3A_19  : i32 {
      %mul3A_42 = arith.constant 128 : i32
      %mul3A_43 = arith.muli %scan3A_41, %mul3A_42 : i32
      %dma_start3A_44 = arith.constant 0 : i32
      %dma_start3A_45 = tpu.memref_slice %arg11[%mul3A_43, %dma_start3A_44] : memref<512x80xi32, #tpu.memory_space<vmem>> -> memref<128x80xi32, #tpu.memory_space<vmem>>
      %dma_start3A_46 = arith.constant 0 : i32
      %dma_start3A_47 = tpu.memref_slice %arg9[%scan3A_41, %dma_start3A_46] : memref<4x128xi32, #tpu.memory_space<vmem>> -> memref<1x128xi32, #tpu.memory_space<vmem>>
      %dma_start3A_48 = tpu.memref_squeeze %dma_start3A_47 : memref<1x128xi32, #tpu.memory_space<vmem>> -> memref<128xi32, #tpu.memory_space<vmem>>
      %dma_start3A_49 = arith.constant 0 : i32
      %dma_start3A_50 = arith.constant 0 : i32
      %dma_start3A_51 = tpu.memref_slice %arg3[%dma_start3A_49, %dma_start3A_50] : memref<25000x80xi32, #tpu.memory_space<hbm>> -> memref<25000x80xi32, #tpu.memory_space<hbm>>
      %dma_start3A_52 = tpu.memref_slice %arg17[%scan3A_41] : memref<4x!tpu.dma_semaphore, #tpu.memory_space<semaphore_mem>> -> memref<1x!tpu.dma_semaphore, #tpu.memory_space<semaphore_mem>>
      %dma_start3A_53 = tpu.memref_squeeze %dma_start3A_52 : memref<1x!tpu.dma_semaphore, #tpu.memory_space<semaphore_mem>> -> memref<!tpu.dma_semaphore, #tpu.memory_space<semaphore_mem>>
      tpu.enqueue_indirect_dma source(%dma_start3A_51 : memref<25000x80xi32, #tpu.memory_space<hbm>>) target(%dma_start3A_45 : memref<128x80xi32, #tpu.memory_space<vmem>>) offsets(%dma_start3A_48 : memref<128xi32, #tpu.memory_space<vmem>>) semaphore(%dma_start3A_53 : memref<!tpu.dma_semaphore, #tpu.memory_space<semaphore_mem>>)
      %mul3A_54 = arith.constant 128 : i32
      %mul3A_55 = arith.muli %scan3A_41, %mul3A_54 : i32
      %dma_start3A_56 = arith.constant 0 : i32
      %dma_start3A_57 = tpu.memref_slice %arg14[%mul3A_55, %dma_start3A_56] : memref<512x64xf32, #tpu.memory_space<vmem>> -> memref<128x64xf32, #tpu.memory_space<vmem>>
      %dma_start3A_58 = arith.constant 0 : i32
      %dma_start3A_59 = tpu.memref_slice %arg10[%scan3A_41, %dma_start3A_58] : memref<4x128xi32, #tpu.memory_space<vmem>> -> memref<1x128xi32, #tpu.memory_space<vmem>>
      %dma_start3A_60 = tpu.memref_squeeze %dma_start3A_59 : memref<1x128xi32, #tpu.memory_space<vmem>> -> memref<128xi32, #tpu.memory_space<vmem>>
      %dma_start3A_61 = arith.constant 0 : i32
      %dma_start3A_62 = arith.constant 0 : i32
      %dma_start3A_63 = tpu.memref_slice %arg5[%dma_start3A_61, %dma_start3A_62] : memref<100000x64xf32, #tpu.memory_space<hbm>> -> memref<100000x64xf32, #tpu.memory_space<hbm>>
      %dma_start3A_64 = tpu.memref_slice %arg18[%scan3A_41] : memref<4x!tpu.dma_semaphore, #tpu.memory_space<semaphore_mem>> -> memref<1x!tpu.dma_semaphore, #tpu.memory_space<semaphore_mem>>
      %dma_start3A_65 = tpu.memref_squeeze %dma_start3A_64 : memref<1x!tpu.dma_semaphore, #tpu.memory_space<semaphore_mem>> -> memref<!tpu.dma_semaphore, #tpu.memory_space<semaphore_mem>>
      tpu.enqueue_indirect_dma source(%dma_start3A_63 : memref<100000x64xf32, #tpu.memory_space<hbm>>) target(%dma_start3A_57 : memref<128x64xf32, #tpu.memory_space<vmem>>) offsets(%dma_start3A_60 : memref<128xi32, #tpu.memory_space<vmem>>) semaphore(%dma_start3A_65 : memref<!tpu.dma_semaphore, #tpu.memory_space<semaphore_mem>>)
    }
    %scan3A_20 = arith.constant 4 : i32
    "tpu.trace_stop"() : () -> ()
    "tpu.trace_start"() <{level = 10 : i32, message = "zero"}> : () -> ()
    %scan3A_21 = arith.constant 0 : i32
    %scan3A_22 = arith.constant 0 : i32
    %scan3A_23 = arith.constant 512 : i32
    %scan3A_24 = arith.addi %scan3A_22, %scan3A_23 : i32
    %scan3A_25 = arith.constant 1 : i32
    scf.for %scan3A_41 = %scan3A_22 to %scan3A_24 step %scan3A_25  : i32 {
      %swap3A = arith.index_cast %scan3A_41 : i32 to index
      %swap3A_42 = arith.constant 0 : index
      %swap3A_43 = tpu.vector_load %arg13[%swap3A, %swap3A_42] {strides = array<i32>} : memref<512x64xf32, #tpu.memory_space<vmem>>, vector<16xf32>,
      tpu.vector_store %arg13[%swap3A, %swap3A_42], %broadcast_in_dim3A_3 {strides = array<i32>} : memref<512x64xf32, #tpu.memory_space<vmem>>, vector<16xf32>,
      %swap3A_44 = arith.index_cast %scan3A_41 : i32 to index
      %swap3A_45 = arith.constant 16 : index
      %swap3A_46 = tpu.vector_load %arg13[%swap3A_44, %swap3A_45] {strides = array<i32>} : memref<512x64xf32, #tpu.memory_space<vmem>>, vector<16xf32>,
      tpu.vector_store %arg13[%swap3A_44, %swap3A_45], %broadcast_in_dim3A_3 {strides = array<i32>} : memref<512x64xf32, #tpu.memory_space<vmem>>, vector<16xf32>,
      %swap3A_47 = arith.index_cast %scan3A_41 : i32 to index
      %swap3A_48 = arith.constant 32 : index
      %swap3A_49 = tpu.vector_load %arg13[%swap3A_47, %swap3A_48] {strides = array<i32>} : memref<512x64xf32, #tpu.memory_space<vmem>>, vector<16xf32>,
      tpu.vector_store %arg13[%swap3A_47, %swap3A_48], %broadcast_in_dim3A_3 {strides = array<i32>} : memref<512x64xf32, #tpu.memory_space<vmem>>, vector<16xf32>,
      %swap3A_50 = arith.index_cast %scan3A_41 : i32 to index
      %swap3A_51 = arith.constant 48 : index
      %swap3A_52 = tpu.vector_load %arg13[%swap3A_50, %swap3A_51] {strides = array<i32>} : memref<512x64xf32, #tpu.memory_space<vmem>>, vector<16xf32>,
      tpu.vector_store %arg13[%swap3A_50, %swap3A_51], %broadcast_in_dim3A_3 {strides = array<i32>} : memref<512x64xf32, #tpu.memory_space<vmem>>, vector<16xf32>,
    }
    %scan3A_26 = arith.constant 512 : i32
    "tpu.trace_stop"() : () -> ()
    "tpu.trace_start"() <{level = 10 : i32, message = "stage_chunks"}> : () -> ()
    %scan3A_27 = arith.constant 0 : i32
    %scan3A_28 = arith.constant 0 : i32
    %scan3A_29 = arith.constant 4 : i32
    %scan3A_30 = arith.addi %scan3A_28, %scan3A_29 : i32
    %scan3A_31 = arith.constant 1 : i32
    scf.for %scan3A_41 = %scan3A_28 to %scan3A_30 step %scan3A_31  : i32 {
      %mul3A_42 = arith.constant 128 : i32
      %mul3A_43 = arith.muli %scan3A_41, %mul3A_42 : i32
      %dma_wait3A_44 = arith.constant 0 : i32
      %dma_wait3A_45 = tpu.memref_slice %arg11[%mul3A_43, %dma_wait3A_44] : memref<512x80xi32, #tpu.memory_space<vmem>> -> memref<128x80xi32, #tpu.memory_space<vmem>>
      %dma_wait3A_46 = arith.constant 0 : i32
      %dma_wait3A_47 = tpu.memref_slice %arg9[%scan3A_41, %dma_wait3A_46] : memref<4x128xi32, #tpu.memory_space<vmem>> -> memref<1x128xi32, #tpu.memory_space<vmem>>
      %dma_wait3A_48 = tpu.memref_squeeze %dma_wait3A_47 : memref<1x128xi32, #tpu.memory_space<vmem>> -> memref<128xi32, #tpu.memory_space<vmem>>
      %dma_wait3A_49 = arith.constant 0 : i32
      %dma_wait3A_50 = arith.constant 0 : i32
      %dma_wait3A_51 = tpu.memref_slice %arg3[%dma_wait3A_49, %dma_wait3A_50] : memref<25000x80xi32, #tpu.memory_space<hbm>> -> memref<25000x80xi32, #tpu.memory_space<hbm>>
      %dma_wait3A_52 = tpu.memref_slice %arg17[%scan3A_41] : memref<4x!tpu.dma_semaphore, #tpu.memory_space<semaphore_mem>> -> memref<1x!tpu.dma_semaphore, #tpu.memory_space<semaphore_mem>>
      %dma_wait3A_53 = tpu.memref_squeeze %dma_wait3A_52 : memref<1x!tpu.dma_semaphore, #tpu.memory_space<semaphore_mem>> -> memref<!tpu.dma_semaphore, #tpu.memory_space<semaphore_mem>>
      tpu.wait_indirect_dma semaphore(%dma_wait3A_53 : memref<!tpu.dma_semaphore, #tpu.memory_space<semaphore_mem>>) src(%dma_wait3A_51 : memref<25000x80xi32, #tpu.memory_space<hbm>>) dst(%dma_wait3A_45 : memref<128x80xi32, #tpu.memory_space<vmem>>)
      %scan3A_54 = arith.constant 0 : i32
      %scan3A_55 = arith.constant 0 : i32
      %scan3A_56 = arith.constant 8 : i32
      %scan3A_57 = arith.addi %scan3A_55, %scan3A_56 : i32
      %scan3A_58 = arith.constant 1 : i32
      scf.for %scan3A_66 = %scan3A_55 to %scan3A_57 step %scan3A_58  : i32 {
        %mul3A_67 = arith.constant 8 : i32
        %mul3A_68 = arith.muli %scan3A_41, %mul3A_67 : i32
        %add3A_69 = arith.addi %mul3A_68, %scan3A_66 : i32
        %mul3A_70 = arith.constant 16 : i32
        %mul3A_71 = arith.muli %add3A_69, %mul3A_70 : i32
        %add3A_72 = vector.broadcast %mul3A_71 : i32 to vector<16xi32>
        %add3A_73 = arith.addi %add3A_72, %iota3A : vector<16xi32>
        %mul3A_74 = arith.constant 16 : i32
        %mul3A_75 = arith.muli %scan3A_66, %mul3A_74 : i32
        %get3A = arith.index_cast %scan3A_41 : i32 to index
        %get3A_76 = arith.index_cast %mul3A_75 : i32 to index
        %get3A_77 = tpu.vector_load %arg8[%get3A, %get3A_76] {strides = array<i32>} : memref<4x128xi32, #tpu.memory_space<vmem>>, vector<16xi32>,
        %and3A = arith.constant 3 : i32
        %and3A_78 = vector.broadcast %and3A : i32 to vector<16xi32>
        %and3A_79 = arith.andi %get3A_77, %and3A_78 : vector<16xi32>
        %mul3A_80 = arith.constant 20 : i32
        %mul3A_81 = vector.broadcast %mul3A_80 : i32 to vector<16xi32>
        %mul3A_82 = arith.muli %and3A_79, %mul3A_81 : vector<16xi32>
        %scan3A_83 = arith.constant 0 : i32
        %scan3A_84 = arith.constant 0 : i32
        %scan3A_85 = arith.constant 20 : i32
        %scan3A_86 = arith.addi %scan3A_84, %scan3A_85 : i32
        %scan3A_87 = arith.constant 1 : i32
        scf.for %scan3A_89 = %scan3A_84 to %scan3A_86 step %scan3A_87  : i32 {
          %add3A_90 = vector.broadcast %scan3A_89 : i32 to vector<16xi32>
          %add3A_91 = arith.addi %mul3A_82, %add3A_90 : vector<16xi32>
          %gather3A = tpu.vector_load_idx %arg11[%add3A_73, %add3A_91] : memref<512x80xi32, #tpu.memory_space<vmem>>[vector<16xi32>, vector<16xi32>], vector<16xi32>,
          %mul3A_92 = arith.constant 4 : i32
          %mul3A_93 = arith.muli %scan3A_89, %mul3A_92 : i32
          %add3A_94 = arith.addi %mul3A_93, %scan3A_41 : i32
          %swap3A = arith.index_cast %add3A_94 : i32 to index
          %swap3A_95 = arith.index_cast %mul3A_75 : i32 to index
          %swap3A_96 = tpu.vector_load %arg12[%swap3A, %swap3A_95] {strides = array<i32>} : memref<80x128xi32, #tpu.memory_space<vmem>>, vector<16xi32>,
          tpu.vector_store %arg12[%swap3A, %swap3A_95], %gather3A {strides = array<i32>} : memref<80x128xi32, #tpu.memory_space<vmem>>, vector<16xi32>,
        }
        %scan3A_88 = arith.constant 20 : i32
      }
      %scan3A_59 = arith.constant 8 : i32
      %scan3A_60 = arith.constant 0 : i32
      %scan3A_61 = arith.constant 0 : i32
      %scan3A_62 = arith.constant 20 : i32
      %scan3A_63 = arith.addi %scan3A_61, %scan3A_62 : i32
      %scan3A_64 = arith.constant 1 : i32
      scf.for %scan3A_66 = %scan3A_61 to %scan3A_63 step %scan3A_64  : i32 {
        %mul3A_67 = arith.constant 4 : i32
        %mul3A_68 = arith.muli %scan3A_66, %mul3A_67 : i32
        %add3A_69 = arith.addi %mul3A_68, %scan3A_41 : i32
        %mul3A_70 = arith.constant 128 : i32
        %mul3A_71 = arith.muli %scan3A_41, %mul3A_70 : i32
        %dma_start3A_72 = arith.constant 0 : i32
        %dma_start3A_73 = tpu.memref_slice %arg13[%mul3A_71, %dma_start3A_72] : memref<512x64xf32, #tpu.memory_space<vmem>> -> memref<128x64xf32, #tpu.memory_space<vmem>>
        %dma_start3A_74 = arith.constant 0 : i32
        %dma_start3A_75 = tpu.memref_slice %arg12[%add3A_69, %dma_start3A_74] : memref<80x128xi32, #tpu.memory_space<vmem>> -> memref<1x128xi32, #tpu.memory_space<vmem>>
        %dma_start3A_76 = tpu.memref_squeeze %dma_start3A_75 : memref<1x128xi32, #tpu.memory_space<vmem>> -> memref<128xi32, #tpu.memory_space<vmem>>
        %dma_start3A_77 = arith.constant 0 : i32
        %dma_start3A_78 = arith.constant 0 : i32
        %dma_start3A_79 = tpu.memref_slice %arg4[%dma_start3A_77, %dma_start3A_78] : memref<50001x64xf32, #tpu.memory_space<hbm>> -> memref<50001x64xf32, #tpu.memory_space<hbm>>
        %dma_start3A_80 = tpu.memref_slice %arg19[%scan3A_41] : memref<4x!tpu.dma_semaphore, #tpu.memory_space<semaphore_mem>> -> memref<1x!tpu.dma_semaphore, #tpu.memory_space<semaphore_mem>>
        %dma_start3A_81 = tpu.memref_squeeze %dma_start3A_80 : memref<1x!tpu.dma_semaphore, #tpu.memory_space<semaphore_mem>> -> memref<!tpu.dma_semaphore, #tpu.memory_space<semaphore_mem>>
        tpu.enqueue_indirect_dma source(%dma_start3A_79 : memref<50001x64xf32, #tpu.memory_space<hbm>>) target(%dma_start3A_73 : memref<128x64xf32, #tpu.memory_space<vmem>>) offsets(%dma_start3A_76 : memref<128xi32, #tpu.memory_space<vmem>>) semaphore(%dma_start3A_81 : memref<!tpu.dma_semaphore, #tpu.memory_space<semaphore_mem>>) {add = true}
      }
      %scan3A_65 = arith.constant 20 : i32
    }
    %scan3A_32 = arith.constant 4 : i32
    %eq3A = arith.constant 15 : i32
    "tpu.trace_stop"() : () -> ()
    %eq3A_33 = vector.broadcast %eq3A : i32 to vector<16xi32>
    %eq3A_34 = arith.cmpi eq, %iota3A, %eq3A_33 : vector<16xi32>
    "tpu.trace_start"() <{level = 10 : i32, message = "drain_dot"}> : () -> ()
    %scan3A_35 = arith.constant 0 : i32
    %scan3A_36 = arith.constant 0 : i32
    %scan3A_37 = arith.constant 4 : i32
    %scan3A_38 = arith.addi %scan3A_36, %scan3A_37 : i32
    %scan3A_39 = arith.constant 1 : i32
    scf.for %scan3A_41 = %scan3A_36 to %scan3A_38 step %scan3A_39  : i32 {
      %scan3A_42 = arith.constant 0 : i32
      %scan3A_43 = arith.constant 0 : i32
      %scan3A_44 = arith.constant 20 : i32
      %scan3A_45 = arith.addi %scan3A_43, %scan3A_44 : i32
      %scan3A_46 = arith.constant 1 : i32
      scf.for %scan3A_74 = %scan3A_43 to %scan3A_45 step %scan3A_46  : i32 {
        %mul3A_75 = arith.constant 4 : i32
        %mul3A_76 = arith.muli %scan3A_74, %mul3A_75 : i32
        %add3A_77 = arith.addi %mul3A_76, %scan3A_41 : i32
        %mul3A_78 = arith.constant 128 : i32
        %mul3A_79 = arith.muli %scan3A_41, %mul3A_78 : i32
        %dma_wait3A_80 = arith.constant 0 : i32
        %dma_wait3A_81 = tpu.memref_slice %arg13[%mul3A_79, %dma_wait3A_80] : memref<512x64xf32, #tpu.memory_space<vmem>> -> memref<128x64xf32, #tpu.memory_space<vmem>>
        %dma_wait3A_82 = arith.constant 0 : i32
        %dma_wait3A_83 = tpu.memref_slice %arg12[%add3A_77, %dma_wait3A_82] : memref<80x128xi32, #tpu.memory_space<vmem>> -> memref<1x128xi32, #tpu.memory_space<vmem>>
        %dma_wait3A_84 = tpu.memref_squeeze %dma_wait3A_83 : memref<1x128xi32, #tpu.memory_space<vmem>> -> memref<128xi32, #tpu.memory_space<vmem>>
        %dma_wait3A_85 = arith.constant 0 : i32
        %dma_wait3A_86 = arith.constant 0 : i32
        %dma_wait3A_87 = tpu.memref_slice %arg4[%dma_wait3A_85, %dma_wait3A_86] : memref<50001x64xf32, #tpu.memory_space<hbm>> -> memref<50001x64xf32, #tpu.memory_space<hbm>>
        %dma_wait3A_88 = tpu.memref_slice %arg19[%scan3A_41] : memref<4x!tpu.dma_semaphore, #tpu.memory_space<semaphore_mem>> -> memref<1x!tpu.dma_semaphore, #tpu.memory_space<semaphore_mem>>
        %dma_wait3A_89 = tpu.memref_squeeze %dma_wait3A_88 : memref<1x!tpu.dma_semaphore, #tpu.memory_space<semaphore_mem>> -> memref<!tpu.dma_semaphore, #tpu.memory_space<semaphore_mem>>
        tpu.wait_indirect_dma semaphore(%dma_wait3A_89 : memref<!tpu.dma_semaphore, #tpu.memory_space<semaphore_mem>>) src(%dma_wait3A_87 : memref<50001x64xf32, #tpu.memory_space<hbm>>) dst(%dma_wait3A_81 : memref<128x64xf32, #tpu.memory_space<vmem>>)
      }
      %scan3A_47 = arith.constant 20 : i32
      %mul3A_48 = arith.constant 128 : i32
      %mul3A_49 = arith.muli %scan3A_41, %mul3A_48 : i32
      %dma_wait3A_50 = arith.constant 0 : i32
      %dma_wait3A_51 = tpu.memref_slice %arg14[%mul3A_49, %dma_wait3A_50] : memref<512x64xf32, #tpu.memory_space<vmem>> -> memref<128x64xf32, #tpu.memory_space<vmem>>
      %dma_wait3A_52 = arith.constant 0 : i32
      %dma_wait3A_53 = tpu.memref_slice %arg10[%scan3A_41, %dma_wait3A_52] : memref<4x128xi32, #tpu.memory_space<vmem>> -> memref<1x128xi32, #tpu.memory_space<vmem>>
      %dma_wait3A_54 = tpu.memref_squeeze %dma_wait3A_53 : memref<1x128xi32, #tpu.memory_space<vmem>> -> memref<128xi32, #tpu.memory_space<vmem>>
      %dma_wait3A_55 = arith.constant 0 : i32
      %dma_wait3A_56 = arith.constant 0 : i32
      %dma_wait3A_57 = tpu.memref_slice %arg5[%dma_wait3A_55, %dma_wait3A_56] : memref<100000x64xf32, #tpu.memory_space<hbm>> -> memref<100000x64xf32, #tpu.memory_space<hbm>>
      %dma_wait3A_58 = tpu.memref_slice %arg18[%scan3A_41] : memref<4x!tpu.dma_semaphore, #tpu.memory_space<semaphore_mem>> -> memref<1x!tpu.dma_semaphore, #tpu.memory_space<semaphore_mem>>
      %dma_wait3A_59 = tpu.memref_squeeze %dma_wait3A_58 : memref<1x!tpu.dma_semaphore, #tpu.memory_space<semaphore_mem>> -> memref<!tpu.dma_semaphore, #tpu.memory_space<semaphore_mem>>
      tpu.wait_indirect_dma semaphore(%dma_wait3A_59 : memref<!tpu.dma_semaphore, #tpu.memory_space<semaphore_mem>>) src(%dma_wait3A_57 : memref<100000x64xf32, #tpu.memory_space<hbm>>) dst(%dma_wait3A_51 : memref<128x64xf32, #tpu.memory_space<vmem>>)
      %mul3A_60 = arith.constant 128 : i32
      %mul3A_61 = arith.muli %scan3A_41, %mul3A_60 : i32
      %add3A_62 = arith.constant 1 : i32
      %add3A_63 = arith.addi %scan3A_41, %add3A_62 : i32
      %mul3A_64 = arith.constant 128 : i32
      %mul3A_65 = arith.muli %add3A_63, %mul3A_64 : i32
      %while3A = arith.constant 0 : i32
      %while3A_66 = arith.subi %mul3A_65, %mul3A_61 : i32
      %while3A_67 = arith.addi %mul3A_61, %while3A_66 : i32
      %while3A_68 = arith.constant 1 : i32
      %while3A_69 = arith.divsi %while3A_66, %while3A_68 : i32
      %while3A_70 = arith.muli %while3A_69, %while3A_68 : i32
      %while3A_71 = arith.addi %mul3A_61, %while3A_70 : i32
      %while3A_72 = arith.constant 1 : i32
      scf.for %while3A_74 = %mul3A_61 to %while3A_71 step %while3A_72  : i32 {
        %get3A = arith.index_cast %while3A_74 : i32 to index
        %get3A_75 = arith.constant 0 : index
        %get3A_76 = tpu.vector_load %arg13[%get3A, %get3A_75] {strides = array<i32>} : memref<512x64xf32, #tpu.memory_space<vmem>>, vector<16xf32>,
        %get3A_77 = arith.index_cast %while3A_74 : i32 to index
        %get3A_78 = arith.constant 0 : index
        %get3A_79 = tpu.vector_load %arg14[%get3A_77, %get3A_78] {strides = array<i32>} : memref<512x64xf32, #tpu.memory_space<vmem>>, vector<16xf32>,
        %mul3A_80 = arith.mulf %get3A_76, %get3A_79 : vector<16xf32>
        %add3A_81 = arith.addf %broadcast_in_dim3A_3, %mul3A_80 : vector<16xf32>
        %get3A_82 = arith.index_cast %while3A_74 : i32 to index
        %get3A_83 = arith.constant 16 : index
        %get3A_84 = tpu.vector_load %arg13[%get3A_82, %get3A_83] {strides = array<i32>} : memref<512x64xf32, #tpu.memory_space<vmem>>, vector<16xf32>,
        %get3A_85 = arith.index_cast %while3A_74 : i32 to index
        %get3A_86 = arith.constant 16 : index
        %get3A_87 = tpu.vector_load %arg14[%get3A_85, %get3A_86] {strides = array<i32>} : memref<512x64xf32, #tpu.memory_space<vmem>>, vector<16xf32>,
        %mul3A_88 = arith.mulf %get3A_84, %get3A_87 : vector<16xf32>
        %add3A_89 = arith.addf %add3A_81, %mul3A_88 : vector<16xf32>
        %get3A_90 = arith.index_cast %while3A_74 : i32 to index
        %get3A_91 = arith.constant 32 : index
        %get3A_92 = tpu.vector_load %arg13[%get3A_90, %get3A_91] {strides = array<i32>} : memref<512x64xf32, #tpu.memory_space<vmem>>, vector<16xf32>,
        %get3A_93 = arith.index_cast %while3A_74 : i32 to index
        %get3A_94 = arith.constant 32 : index
        %get3A_95 = tpu.vector_load %arg14[%get3A_93, %get3A_94] {strides = array<i32>} : memref<512x64xf32, #tpu.memory_space<vmem>>, vector<16xf32>,
        %mul3A_96 = arith.mulf %get3A_92, %get3A_95 : vector<16xf32>
        %add3A_97 = arith.addf %add3A_89, %mul3A_96 : vector<16xf32>
        %get3A_98 = arith.index_cast %while3A_74 : i32 to index
        %get3A_99 = arith.constant 48 : index
        %get3A_100 = tpu.vector_load %arg13[%get3A_98, %get3A_99] {strides = array<i32>} : memref<512x64xf32, #tpu.memory_space<vmem>>, vector<16xf32>,
        %get3A_101 = arith.index_cast %while3A_74 : i32 to index
        %get3A_102 = arith.constant 48 : index
        %get3A_103 = tpu.vector_load %arg14[%get3A_101, %get3A_102] {strides = array<i32>} : memref<512x64xf32, #tpu.memory_space<vmem>>, vector<16xf32>,
        %mul3A_104 = arith.mulf %get3A_100, %get3A_103 : vector<16xf32>
        %add3A_105 = arith.addf %add3A_97, %mul3A_104 : vector<16xf32>
        %broadcast_in_dim3A_106 = arith.constant true
        %broadcast_in_dim3A_107 = vector.broadcast %broadcast_in_dim3A_106 : i1 to vector<16xi1>
        %masked_cumsum3A = tpu.scan <sum>, %add3A_105 masked %broadcast_in_dim3A_107 : vector<16xf32>, vector<16xi1> -> vector<16xf32>
        %broadcast_in_dim3A_108 = arith.constant 0 : i32
        %broadcast_in_dim3A_109 = vector.broadcast %broadcast_in_dim3A_108 : i32 to vector<16xi32>
        %add3A_110 = vector.broadcast %while3A_74 : i32 to vector<16xi32>
        %add3A_111 = arith.addi %broadcast_in_dim3A_109, %add3A_110 : vector<16xi32>
        tpu.vector_store_idx %arg15[%add3A_111], %masked_cumsum3A masked %eq3A_34 : memref<512xf32, #tpu.memory_space<vmem>>[vector<16xi32>], vector<16xf32>, vector<16xi1>
      }
      %while3A_73 = arith.constant 1 : i32
      scf.for %while3A_74 = %while3A_71 to %while3A_67 step %while3A_73  : i32 {
        %get3A = arith.index_cast %while3A_74 : i32 to index
        %get3A_75 = arith.constant 0 : index
        %get3A_76 = tpu.vector_load %arg13[%get3A, %get3A_75] {strides = array<i32>} : memref<512x64xf32, #tpu.memory_space<vmem>>, vector<16xf32>,
        %get3A_77 = arith.index_cast %while3A_74 : i32 to index
        %get3A_78 = arith.constant 0 : index
        %get3A_79 = tpu.vector_load %arg14[%get3A_77, %get3A_78] {strides = array<i32>} : memref<512x64xf32, #tpu.memory_space<vmem>>, vector<16xf32>,
        %mul3A_80 = arith.mulf %get3A_76, %get3A_79 : vector<16xf32>
        %add3A_81 = arith.addf %broadcast_in_dim3A_3, %mul3A_80 : vector<16xf32>
        %get3A_82 = arith.index_cast %while3A_74 : i32 to index
        %get3A_83 = arith.constant 16 : index
        %get3A_84 = tpu.vector_load %arg13[%get3A_82, %get3A_83] {strides = array<i32>} : memref<512x64xf32, #tpu.memory_space<vmem>>, vector<16xf32>,
        %get3A_85 = arith.index_cast %while3A_74 : i32 to index
        %get3A_86 = arith.constant 16 : index
        %get3A_87 = tpu.vector_load %arg14[%get3A_85, %get3A_86] {strides = array<i32>} : memref<512x64xf32, #tpu.memory_space<vmem>>, vector<16xf32>,
        %mul3A_88 = arith.mulf %get3A_84, %get3A_87 : vector<16xf32>
        %add3A_89 = arith.addf %add3A_81, %mul3A_88 : vector<16xf32>
        %get3A_90 = arith.index_cast %while3A_74 : i32 to index
        %get3A_91 = arith.constant 32 : index
        %get3A_92 = tpu.vector_load %arg13[%get3A_90, %get3A_91] {strides = array<i32>} : memref<512x64xf32, #tpu.memory_space<vmem>>, vector<16xf32>,
        %get3A_93 = arith.index_cast %while3A_74 : i32 to index
        %get3A_94 = arith.constant 32 : index
        %get3A_95 = tpu.vector_load %arg14[%get3A_93, %get3A_94] {strides = array<i32>} : memref<512x64xf32, #tpu.memory_space<vmem>>, vector<16xf32>,
        %mul3A_96 = arith.mulf %get3A_92, %get3A_95 : vector<16xf32>
        %add3A_97 = arith.addf %add3A_89, %mul3A_96 : vector<16xf32>
        %get3A_98 = arith.index_cast %while3A_74 : i32 to index
        %get3A_99 = arith.constant 48 : index
        %get3A_100 = tpu.vector_load %arg13[%get3A_98, %get3A_99] {strides = array<i32>} : memref<512x64xf32, #tpu.memory_space<vmem>>, vector<16xf32>,
        %get3A_101 = arith.index_cast %while3A_74 : i32 to index
        %get3A_102 = arith.constant 48 : index
        %get3A_103 = tpu.vector_load %arg14[%get3A_101, %get3A_102] {strides = array<i32>} : memref<512x64xf32, #tpu.memory_space<vmem>>, vector<16xf32>,
        %mul3A_104 = arith.mulf %get3A_100, %get3A_103 : vector<16xf32>
        %add3A_105 = arith.addf %add3A_97, %mul3A_104 : vector<16xf32>
        %broadcast_in_dim3A_106 = arith.constant true
        %broadcast_in_dim3A_107 = vector.broadcast %broadcast_in_dim3A_106 : i1 to vector<16xi1>
        %masked_cumsum3A = tpu.scan <sum>, %add3A_105 masked %broadcast_in_dim3A_107 : vector<16xf32>, vector<16xi1> -> vector<16xf32>
        %broadcast_in_dim3A_108 = arith.constant 0 : i32
        %broadcast_in_dim3A_109 = vector.broadcast %broadcast_in_dim3A_108 : i32 to vector<16xi32>
        %add3A_110 = vector.broadcast %while3A_74 : i32 to vector<16xi32>
        %add3A_111 = arith.addi %broadcast_in_dim3A_109, %add3A_110 : vector<16xi32>
        tpu.vector_store_idx %arg15[%add3A_111], %masked_cumsum3A masked %eq3A_34 : memref<512xf32, #tpu.memory_space<vmem>>[vector<16xi32>], vector<16xf32>, vector<16xi1>
      }
    }
    %scan3A_40 = arith.constant 4 : i32
    "tpu.trace_stop"() : () -> ()
    "tpu.region"() ({
      %run_scoped3A = tpu.sem_alloc : memref<!tpu.dma_semaphore, #tpu.memory_space<semaphore_mem>>
      %dma_start3A_41 = tpu.memref_slice %arg6[%mul3A_2] : memref<16384xf32, #tpu.memory_space<hbm>> -> memref<512xf32, #tpu.memory_space<hbm>>
      %dma_start3A_42 = tpu.memref_slice %arg6[%mul3A_2] : memref<16384xf32, #tpu.memory_space<hbm>> -> memref<512xf32, #tpu.memory_space<hbm>>
      tpu.enqueue_dma source(%arg15 : memref<512xf32, #tpu.memory_space<vmem>>) target(%dma_start3A_42 : memref<512xf32, #tpu.memory_space<hbm>>) target_semaphore(%run_scoped3A : memref<!tpu.dma_semaphore, #tpu.memory_space<semaphore_mem>>)
      %dma_wait3A_43 = tpu.memref_slice %arg6[%mul3A_2] : memref<16384xf32, #tpu.memory_space<hbm>> -> memref<512xf32, #tpu.memory_space<hbm>>
      %dma_wait3A_44 = tpu.memref_slice %arg6[%mul3A_2] : memref<16384xf32, #tpu.memory_space<hbm>> -> memref<512xf32, #tpu.memory_space<hbm>>
      tpu.wait_dma2 semaphore(%run_scoped3A : memref<!tpu.dma_semaphore, #tpu.memory_space<semaphore_mem>>) src(%arg15 : memref<512xf32, #tpu.memory_space<vmem>>) dst(%dma_wait3A_44 : memref<512xf32, #tpu.memory_space<hbm>>)
      tpu.yield
    }) : () -> ()
    return
  }
}

</mosaic_0001>

<sc_bundles>
// kernel: kernel.3.cloned.1.call-start
scs
__scs_entry_jumppad:
0x0: {  	(pc) =	sbr.rel $0x88, $3  }
0x1: {  	(tag) =	ssettag $0x0;
	lr =	simm.s32 $0x1  }
0x2: {  	[smem:$0x3F9D] =	sst lr;
	_ =	strace $0xD0000000  }
0x3: {  	_ = 	snop  }
0x4: {  	_ = 	snop  }
0x5: {  	_ = 	snop  }
0x6: {  	_ = 	snop  }
0x7: {  	_ = 	snop  }
__scs_overlays_trampoline_lowered:
0x8: {  	[smem:$0x3FAC] =	sst s0  }
0x9: {  	[smem:$0x3FAD] =	sst s1  }
0xa: {  	[smem:$0x3FAE] =	sst s2  }
0xb: {  	[smem:$0x3FAF] =	sst s3  }
0xc: {  	[smem:$0x3FB0] =	sst s4  }
0xd: {  	[smem:$0x3FB1] =	sst s5  }
0xe: {  	[smem:$0x3FB2] =	sst s6  }
0xf: {  	[smem:$0x3FB3] =	sst s7  }
0x10: {  	[smem:$0x3FB4] =	sst s8  }
0x11: {  	[smem:$0x3FB5] =	sst s9;
	s0 =	simm.s32 @!p0 $0x0  }
0x12: {  	s1 =	sld [smem:$0x3F9B];
	s0 =	simm.s32 @p0 $0x1  }
0x13: {  	[smem:$0x3FB6] =	sst s0;
	s0 =	simm.s32 @!p1 $0x0  }
0x14: {  	s2 =	sld [smem:$0x3F9A];
	s0 =	simm.s32 @p1 $0x1  }
0x15: {  	[smem:$0x3FB7] =	sst s0;
	s0 =	simm.s32 @!p2 $0x0  }
0x16: {  	s3 =	sld [smem:$0x3FDB];
	s0 =	simm.s32 @p2 $0x1  }
0x17: {  	s4 =	simm.s32 $0x1BF5;
	[smem:$0x3FB9] =	sst s0  }
0x18: {  	s0 =	sld [smem:$0x3F9C];
	_ =	swait.ge [sflag:s4], $0x0  }
0x19: {  	s7 =	sld [smem:$0x3F9D]  }
0x1a: {  	s8 =	sadd.s32 $0xFFFFE003, lr  }
0x1b: {  	s9 =	sadd.s32 $0xFFFFFEF7, lr;
	s5 =	simm.s32 $0xFFFFFFFF;
	p2 =	slt.u32 s8, $0xFFFFF086  }
0x1c: {  	p1 =	slt.u32 s9, $0xF7A;
	s5 =	simm.s32 @!p2 $0x0  }
0x1d: {  	s5 =	simm.s32 @p1 $0x1;
	p0 =	seq.s32 s7, s2  }
0x1e: {  	s7 =	smul.u32 @!p0 $0xF7A, s2;
	p2 =	seq.s32 @!p0 s5, $0x0  }
0x1f: {  	s9 =	smul.u32 $0xF7A, s1;
	s8 =	simm.s32 @!p0 $0x1BF5;
	p2 =	por !p2, p0  }
0x20: {  	[sflag:s8] =	ssyncset.s32 @!p0 $0xFFFFF086;
	s6 =	sadd.s32 @!p0 s3, s7;
	s7 =	simm.s32 @!p0 $0x108  }
0x21: {  	s3 =	sadd.s32 s3, s9;
	s6 =	sadd.s32 @!p0 $0x88, s6;
	s7 =	simm.s32 @p2 $0x1082  }
0x22: {  	[simem:s7], [sflag:s8] =	dma.local @!p0 [hbm:s6], $0xF7A  }
0x23: {  	s9 =	sor.u32 $0xD0000000, s2;
	s6 =	simm.s32 $0x108;
	_ =	swait.ge @!p0 [sflag:s8], $0x0  }
0x24: {  	s3 =	sadd.s32 $0x88, s3;
	s6 =	simm.s32 @!p1 $0x1082;
	[sflag:s4] =	ssyncset.s32 $0xFFFFF086  }
0x25: {  	[simem:s6], [sflag:s4] =	dma.local [hbm:s3], $0xF7A  }
0x26: {  	[smem:$0x3F9D] =	sst s1;
	(tag) =	ssettag s2;
	_ =	strace s9  }
0x27: {  	s1 =	sld [smem:$0x3FAD]  }
0x28: {  	s2 =	sld [smem:$0x3FAE]  }
0x29: {  	s4 =	sld [smem:$0x3FB0]  }
0x2a: {  	p0 =	seq.s32 s5, $0x0;
	s5 =	sld [smem:$0x3FB1]  }
0x2b: {  	s6 =	sld [smem:$0x3FB2]  }
0x2c: {  	s7 =	sld [smem:$0x3FB3]  }
0x2d: {  	s3 =	simm.s32 $0x108;
	s8 =	sld [smem:$0x3FB4]  }
0x2e: {  	s3 =	simm.s32 @!p0 $0x1082;
	s9 =	sld [smem:$0x3FB5]  }
0x2f: {  	lr =	sadd.s32 s0, s3;
	s0 =	sld [smem:$0x3FAC]  }
0x30: {  	s3 =	sld [smem:$0x3FAF]  }
0x31: {  	[smem:$0x3FB8] =	sst s10  }
0x32: {  	s10 =	sld [smem:$0x3FB6];
	_ =	sdelay $0x3  }
0x33: {  	p0 =	seq.s32 s10, $0x1;
	s10 =	sld [smem:$0x3FB8];
	_ =	sdelay $0x3  }
0x34: {  	[smem:$0x3FB8] =	sst s10  }
0x35: {  	s10 =	sld [smem:$0x3FB7];
	_ =	sdelay $0x3  }
0x36: {  	p1 =	seq.s32 s10, $0x1;
	s10 =	sld [smem:$0x3FB8];
	_ =	sdelay $0x3  }
0x37: {  	[smem:$0x3FB8] =	sst s10  }
0x38: {  	s10 =	sld [smem:$0x3FB9]  }
0x39: {  	_ = 	snop;
	(pc) =	sbr.ind lr, $3  }
0x3a: {  	_ = 	snop  }
0x3b: {  	_ = 	snop  }
0x3c: {  	p2 =	seq.s32 s10, $0x1;
	s10 =	sld [smem:$0x3FB8]  }
0x3d: {  	_ =	shalt  }
0x3e: {  	_ =	shalt  }
0x3f: {  	_ =	shalt  }
0x40: {  	_ =	shalt  }
0x41: {  	_ =	shalt  }
0x42: {  	_ =	shalt  }
0x43: {  	_ =	shalt  }
0x44: {  	_ =	shalt  }
0x45: {  	_ =	shalt  }
0x46: {  	_ =	shalt  }
0x47: {  	_ =	shalt  }
0x48: {  	_ =	shalt  }
0x49: {  	_ =	shalt  }
0x4a: {  	_ =	shalt  }
0x4b: {  	_ =	shalt  }
0x4c: {  	_ =	shalt  }
0x4d: {  	_ =	shalt  }
0x4e: {  	_ =	shalt  }
0x4f: {  	_ =	shalt  }
0x50: {  	_ =	shalt  }
0x51: {  	_ =	shalt  }
0x52: {  	_ =	shalt  }
0x53: {  	_ =	shalt  }
0x54: {  	_ =	shalt  }
0x55: {  	_ =	shalt  }
0x56: {  	_ =	shalt  }
0x57: {  	_ =	shalt  }
0x58: {  	_ =	shalt  }
0x59: {  	_ =	shalt  }
0x5a: {  	_ =	shalt  }
0x5b: {  	_ =	shalt  }
0x5c: {  	_ =	shalt  }
0x5d: {  	_ =	shalt  }
0x5e: {  	_ =	shalt  }
0x5f: {  	_ =	shalt  }
0x60: {  	_ =	shalt  }
0x61: {  	_ =	shalt  }
0x62: {  	_ =	shalt  }
0x63: {  	_ =	shalt  }
0x64: {  	_ =	shalt  }
0x65: {  	_ =	shalt  }
0x66: {  	_ =	shalt  }
0x67: {  	_ =	shalt  }
0x68: {  	_ =	shalt  }
0x69: {  	_ =	shalt  }
0x6a: {  	_ =	shalt  }
0x6b: {  	_ =	shalt  }
0x6c: {  	_ =	shalt  }
0x6d: {  	_ =	shalt  }
0x6e: {  	_ =	shalt  }
0x6f: {  	_ =	shalt  }
0x70: {  	_ =	shalt  }
0x71: {  	_ =	shalt  }
0x72: {  	_ =	shalt  }
0x73: {  	_ =	shalt  }
0x74: {  	_ =	shalt  }
0x75: {  	_ =	shalt  }
0x76: {  	_ =	shalt  }
0x77: {  	_ =	shalt  }
0x78: {  	_ =	shalt  }
0x79: {  	_ =	shalt  }
0x7a: {  	_ =	shalt  }
0x7b: {  	_ =	shalt  }
0x7c: {  	_ =	shalt  }
0x7d: {  	_ =	shalt  }
0x7e: {  	_ =	shalt  }
0x7f: {  	_ =	shalt  }
0x80: {  	_ =	shalt  }
0x81: {  	_ =	shalt  }
0x82: {  	_ =	shalt  }
0x83: {  	_ =	shalt  }
0x84: {  	_ =	shalt  }
0x85: {  	_ =	shalt  }
0x86: {  	_ =	shalt  }
0x87: {  	_ =	shalt  }
.Lfunc_end0:
.L_simem_size_0:
called_computation_lowered:
.L_overlay_start_0:
0x88: {  	s2 =	sld [smem:$0x3FD9]  }
0x89: {  	s3 =	sld [smem:$0x3FFE];
	_ =	sdelay $0x1  }
0x8a: {  	s1 =	srdreg.scid  }
0x8b: {  	s0 =	sand.u32 $0x1, s1  }
0x8c: {  	s17 =	sshll.u32 s0, $0xA;
	s2 =	sadd.s32 s3, s2  }
0x8d: {  	s2 =	sadd.s32 s2, s17  }
0x8e: {  	[smem:$0x3FC4] =	sst s2  }
0x8f: {  	_ = 	snop  }
0x90: {  	s2 =	sld [smem:$0x3FD0];
	(tm) =	ssettm $0x1  }
0x91: {  	s18 =	sld [smem:$0x3FFB];
	_ =	sdelay $0x3  }
0x92: {  	_ =	strace s18  }
0x93: {  	s3 =	sld [smem:$0x3FFC];
	_ =	sdelay $0x3  }
0x94: {  	_ =	strace s3  }
0x95: {  	s3 =	sld [smem:$0x3FFD];
	_ =	sdelay $0x3  }
0x96: {  	_ =	strace s3  }
0x97: {  	_ =	strace $0x8FFFFFFF  }
0x98: {  	s19 =	sld [smem:$0x3FDB];
	_ =	sdelay $0x1  }
0x99: {  	s4 =	simm.s32 $_scs_section_size  }
0x9a: {  	s5 =	simm.s32 $_size__tile_overlayer_lowered;
	s6 =	simm.s32 $_tile_overlayer_lowered  }
0x9b: {  	s22 =	simm.s32 $0x1BFF;
	s21 =	sshll.u32 s6, $0x1;
	s3 =	sadd.s32 s4, s19  }
0x9c: {  	s7 =	simm.s32 $0x0;
	s20 =	sshll.u32 s5, $0x1;
	s5 =	sadd.s32 s21, s3  }
0x9d: {  	[timem:s7], [sflag:s22] =	dma.local [hbm:s5], s20  }
0x9e: {  	_ =	swait.ge [sflag:s22], s20  }
0x9f: {  	s4 =	ssub.s32 $0x0, s20;
	[sflag:s22] =	ssyncset.done $0x0  }
0xa0: {  	[sflag:s22] =	ssyncadd.s32 s4;
	_ =	sdelay $0x1  }
0xa1: {  	s23 =	simm.s32 $0x1B8B  }
0xa2: {  	_ =	swait.ge [sflag:s23], $0x1  }
0xa3: {  	[sflag:s23] =	ssyncset.done $0x0  }
0xa4: {  	s25 =	simm.s32 $0x1B8E;
	s24 =	sld [smem:$0x3FFE];
	[sflag:s23] =	ssyncadd.s32 $0xFFFFFFFF  }
0xa5: {  	s26 =	simm.s32 $execute0_lowered;
	[smem:$0x3FD2] =	sst s25  }
0xa6: {  	s5 =	sshll.u32 s26, $0x1;
	_ =	strace $0x80000046;
	[dreg:$0x1] =	wrdreg $0xFFFFFFFF  }
0xa7: {  	s28 =	simm.s32 $_size_execute0_lowered;
	s3 =	sadd.s32 s3, s5;
	[dreg:$0x0] =	wrdreg $0x0  }
0xa8: {  	s5 =	sshll.u32 s28, $0x1;
	[dreg:$0x2] =	wrdreg s3  }
0xa9: {  	[dreg:$0x3] =	wrdreg s5  }
0xaa: {  	[dreg:$0x4] =	wrdreg $0xC0  }
0xab: {  	_ =	task [dreg:s7], $0x5FFFF  }
0xac: {  	[dreg:$0x1] =	wrdreg $0xFFFFFFFF  }
0xad: {  	[dreg:$0x0] =	wrdreg $0x60  }
0xae: {  	[dreg:$0x2] =	wrdreg s24  }
0xaf: {  	[dreg:$0x3] =	wrdreg s2  }
0xb0: {  	[dreg:$0x4] =	wrdreg $0x9  }
0xb1: {  	_ =	task.clear_ibuf [dreg:s7], $0x5FFFF;
	_ =	strace $0x90000046  }
0xb2: {  	s29 =	simm.s32 $0x9;
	_ =	strace $0x8000004D  }
0xb3: {  	_ =	swait.ge [sflag:s29], $0x1  }
0xb4: {  	[sflag:s29] =	ssyncadd.s32 $0xFFFFFFFF  }
0xb5: {  	_ =	strace $0x9000004D  }
0xb6: {  	_ =	sfence  }
0xb7: {  	s30 =	sld [smem:$0x0];
	_ =	sdelay $0x2  }
0xb8: {  	s31 =	sshll.u32 s1, $0xD;
	s1 =	sshrl.u32 s1, $0x2  }
0xb9: {  	s3 =	sand.u32 $0x4000, s31;
	s1 =	sadd.s32 s1, s30  }
0xba: {  	s0 =	sor.u32 s3, s0;
	s1 =	sshll.u32 s1, $0x11  }
0xbb: {  	s0 =	sor.u32 s1, s0  }
0xbc: {  	s0 =	sadd.s32 $0x8F2B, s0  }
0xbd: {  	[sflag:s0] =	ssyncadd.remote.s32 $0x1  }
0xbe: {  	_ =	sfence.sel $0xFFFF  }
0xbf: {  	[dreg:$0x0] =	wrdreg $0xFFFFFFFF;
	(pc) =	sbr.abs _section_cstart, $3  }
0xc0: {  	[dreg:$0x1] =	wrdreg $0xFFFFFFFF  }
0xc1: {  	_ =	task.clear_ibuf [dreg:s7], $0x2FFFF;
	_ =	strace $0x9FFFFFFF  }
0xc2: {  	(tm) =	ssettm $0x7FFFFFFF  }
0xc3: {  	_ =	shalt  }
tec
execute0_lowered:
.L_overlay_start_1:
0x0: {  	(tag) =	ssettag $0x1  }
0x1: {  	s0 =	rddreg [dreg:$0x0]  }
0x2: {  	s1 =	rddreg [dreg:$0x1]  }
0x3: {  	s2 =	srdreg.scid;
	s4 =	stileid.u32  }
0x4: {  	s10 =	simm.s32 $0x80;
	s11 =	simm.s32 $0x1200;
	s12 =	simm.s32 $0x1600  }
0x5: {  	s19 =	simm.s32 $0x1300;
	s20 =	simm.s32 $0x6600;
	s21 =	simm.s32 $0x1500  }
0x6: {  	s22 =	simm.s32 $0x19E00;
	s23 =	simm.s32 $0x1380;
	s24 =	simm.s32 $0x8E00  }
0x7: {  	s25 =	simm.s32 $0x1580;
	s28 =	simm.s32 $0x1DE00;
	s29 =	simm.s32 $0xE  }
0x8: {  	s30 =	simm.s32 $0x0;
	s3 =	sand.u32 $0x1, s2;
	s2 =	simm.s32 $0x0  }
0x9: {  	s4 =	sshll.u32 s4, $0xA;
	s5 =	sshll.u32 s3, $0x9;
	[smem:$0x7FF] =	sst s2  }
0xa: {  	s8 =	ssub.s32 $0x2, s3;
	s3 =	sadd.s32 $0x24B200, s0;
	s6 =	sor.u32 s5, s4  }
0xb: {  	_ =	strace $0x80000047;
	s4 =	sadd.s32 $0x1200, s0;
	s9 =	sshrl.u32 s8, $0x1  }
0xc: {  	s5 =	sadd.s32 $0x187C00, s0;
	s7 =	sadd.s32 s6, s0;
	s26 =	ssub.s32 s8, s9  }
0xd: {  	v2 =	vlaneseq.u32;
	v1 =	vimm.f32 $0.0e+00;
	s31 =	sshrl.u32 s6, $0x3;
	s9 =	simm.s32 $0x1;
	s6 =	sadd.s32 $0x62E00, s7  }
0xe: {  	vm0 =	vcmask $0x3F3C;
	v0 =	vmul.u32 $0x8, v2;
	v2 =	vmul.u32 $0x50, v2;
	s7 =	sadd.s32 s1, s31;
	s8 =	smax.u32 s26, $0x1;
	s26 =	simm.s32 $0x1BE00  }
.LBB2_1:
0xf: {  	v3 =	vmov s2  }
0x10: {  	_ =	strace $0x80000048;
	v3 =	vshll.u32 v3, $0x3  }
0x11: {  	[tilespmem:s2], [sflag:$0x1] =	stream.linear.gather [hbm4b:s6+s2], $0x1000, $0x200038;
	v3 =	vor.u32 v0, v3;
	[tilespmem:$0x1E000] =	vst v63  }
0x12: {  	_ =	swait.ge [sflag:s9], $0x1000  }
0x13: {  	[sflag:s9] =	ssyncset.done $0x0  }
0x14: {  	v4 =	vor.u32 $0x1, v3;
	[sflag:s9] =	ssyncadd.s32 $0xFFFFF000  }
0x15: {  	_ =	strace $0x90000048  }
0x16: {  	v6 =	vld.idx.msk [tilespmem:v3+s2+$0x0], $0xffff  }
0x17: {  	s0 =	simm.s32 $0x10  }
0x18: {  	v3 =	vmov s0  }
0x19: {  	v5 =	vld.idx.msk [tilespmem:v4+s2+$0x0], $0xffff;
	v3 =	vshll.u32 v3, $0x3  }
0x1a: {  	s0 =	simm.s32 $0x1000;
	v3 =	vor.u32 v0, v3  }
0x1b: {  	s15 =	simm.s32 $0x20;
	[tilespmem:s0+$0x0] =	vst v6;
	v6 =	vshra.s32 v6, $0x2  }
0x1c: {  	s1 =	simm.s32 $0x1410;
	s14 =	simm.s32 $0x1400;
	s13 =	simm.s32 $0x1200;
	v4 =	vor.u32 $0x1, v3;
	[tilespmem:s11+$0x0] =	vst v6  }
.LBB2_2:
0x1d: {  	s0 =	sadd.s32 $0x10, s0;
	s13 =	sadd.s32 $0x10, s13  }
0x1e: {  	[tilespmem:s14+$0x0] =	vst v5;
	s16 =	smov.u32 s15;
	s17 =	sadd.s32 $0x10, s15;
	s14 =	smov.u32 s1  }
0x1f: {  	p0 =	sne.s32 s15, $0x1F0;
	v6 =	vld.idx.msk [tilespmem:v3+s2+$0x0], $0xffff;
	_ =	sdelay $0x1  }
0x20: {  	v3 =	vmov s16;
	v5 =	vld.idx.msk [tilespmem:v4+s2+$0x0], $0xffff  }
.Ltmp0:
0x21: {  	v3 =	vshll.u32 v3, $0x3;
	(pc) =	sbr.rel @p0 .LBB2_2-.Ltmp0, $4  }
0x22: {  	v3 =	vor.u32 v0, v3  }
0x23: {  	v4 =	vor.u32 $0x1, v3  }
0x24: {  	[tilespmem:s0+$0x0] =	vst v6;
	v6 =	vshra.s32 v6, $0x2  }
0x25: {  	s1 =	sadd.s32 $0x10, s1;
	s15 =	smov.u32 s17;
	[tilespmem:s13+$0x0] =	vst v6  }
0x26: {  	_ =	sdelay $0x2  }
0x27: {  	[tilespmem:s14+$0x0] =	vst v5  }
0x28: {  	v3 =	vld.idx.msk [tilespmem:v3+s2+$0x0], $0xffff;
	_ =	sdelay $0x1  }
0x29: {  	v4 =	vld.idx.msk [tilespmem:v4+s2+$0x0], $0xffff;
	_ =	sdelay $0x1  }
0x2a: {  	s0 =	sadd.s32 $0x10, s0  }
0x2b: {  	s13 =	sadd.s32 $0x10, s13;
	[tilespmem:s0+$0x0] =	vst v3;
	v3 =	vshra.s32 v3, $0x2  }
0x2c: {  	[tilespmem:s13+$0x0] =	vst v3  }
0x2d: {  	[tilespmem:s1+$0x0] =	vst v4  }
0x2e: {  	_ =	strace $0x80000049  }
0x2f: {  	[tilespmem:s12], [sflag:$0x2] =	stream.indirect.gather [hbm4b:s3+s10], $0x50, s11, s10, $0x2000b8;
	[tilespmem:$0x1E000] =	vst v63  }
0x30: {  	s14 =	simm.s32 $0x1400;
	s15 =	simm.s32 $0x15E00  }
0x31: {  	[tilespmem:s15], [sflag:$0x6] =	stream.indirect.gather [hbm4b:s5+s10], $0x40, s14, s10, $0x2000b8;
	[tilespmem:$0x1E000] =	vst v63  }
0x32: {  	s16 =	simm.s32 $0x1280;
	s17 =	simm.s32 $0x3E00  }
0x33: {  	[tilespmem:s17], [sflag:$0x3] =	stream.indirect.gather [hbm4b:s3+s10], $0x50, s16, s10, $0x2000b8;
	[tilespmem:$0x1E000] =	vst v63  }
0x34: {  	s18 =	simm.s32 $0x1480;
	s31 =	simm.s32 $0x17E00  }
0x35: {  	[tilespmem:s31], [sflag:$0x7] =	stream.indirect.gather [hbm4b:s5+s10], $0x40, s18, s10, $0x2000b8;
	[tilespmem:$0x1E000] =	vst v63  }
0x36: {  	_ = 	snop  }
0x37: {  	[tilespmem:s20], [sflag:$0x4] =	stream.indirect.gather [hbm4b:s3+s10], $0x50, s19, s10, $0x2000b8;
	[tilespmem:$0x1E000] =	vst v63  }
0x38: {  	_ = 	snop  }
0x39: {  	[tilespmem:s22], [sflag:$0x8] =	stream.indirect.gather [hbm4b:s5+s10], $0x40, s21, s10, $0x2000b8;
	[tilespmem:$0x1E000] =	vst v63  }
0x3a: {  	_ = 	snop  }
0x3b: {  	[tilespmem:s24], [sflag:$0x5] =	stream.indirect.gather [hbm4b:s3+s10], $0x50, s23, s10, $0x2000b8;
	[tilespmem:$0x1E000] =	vst v63  }
0x3c: {  	_ = 	snop  }
0x3d: {  	[tilespmem:s26], [sflag:$0x9] =	stream.indirect.gather [hbm4b:s5+s10], $0x40, s25, s10, $0x2000b8;
	[tilespmem:$0x1E000] =	vst v63  }
0x3e: {  	_ =	strace $0x90000049  }
0x3f: {  	s0 =	simm.s32 $0x0;
	s1 =	simm.s32 $0x100;
	_ =	strace $0x8000004A  }
.LBB2_4:
0x40: {  	p0 =	sne.s32 s1, $0x1FF00;
	[tilespmem:s0+$0xDE30] =	vst v1;
	s13 =	smov.u32 s1;
	s1 =	sadd.s32 $0x100, s1  }
.Ltmp1:
0x41: {  	[tilespmem:s0+$0xDE20] =	vst v1;
	(pc) =	sbr.rel @p0 .LBB2_4-.Ltmp1, $3  }
0x42: {  	[tilespmem:s0+$0xDE00] =	vst v1  }
0x43: {  	[tilespmem:s0+$0xDE10] =	vst v1;
	_ =	sdelay $0x1  }
0x44: {  	s0 =	sshra.s32 s13, $0x2  }
0x45: {  	[tilespmem:s0+$0xDE30] =	vst v1  }
0x46: {  	[tilespmem:s0+$0xDE20] =	vst v1  }
0x47: {  	[tilespmem:s0+$0xDE00] =	vst v1  }
0x48: {  	[tilespmem:s0+$0xDE10] =	vst v1  }
0x49: {  	_ =	strace $0x9000004A  }
0x4a: {  	s0 =	simm.s32 $0x0;
	s17 =	simm.s32 $0xB600;
	_ =	strace $0x8000004B  }
.LBB2_6:
0x4b: {  	s1 =	sadd.s32 $0x2, s0;
	s13 =	sshll.u32 s0, $0x7  }
0x4c: {  	_ =	swait.ge [sflag:s1], $0x2800;
	s31 =	sand.u32 $0x3FFFFF80, s13  }
0x4d: {  	s16 =	simm.s32 $0x0;
	[sflag:s1] =	ssyncset.done $0x0;
	s15 =	sadd.s32 $0x1000, s31  }
0x4e: {  	s14 =	sadd.s32 $0xB600, s31;
	[sflag:s1] =	ssyncadd.s32 $0xFFFFD800;
	v3 =	vmov s15;
	s15 =	smov.u32 s17  }
.LBB2_7:
0x4f: {  	_ =	sdelay $0x2  }
0x50: {  	s1 =	sshll.u32 s16, $0x4  }
0x51: {  	v4 =	vld.idx.msk [tilespmem:v3+s1+$0x0 ss:$0x1], $0xffff;
	_ =	sdelay $0x2  }
0x52: {  	s1 =	sadd.s32 s13, s1  }
0x53: {  	v5 =	vmov s1  }
0x54: {  	v6 =	vmul.u32 $0x50, v5;
	v4 =	vand.u32 $0x3, v4  }
0x55: {  	v5 =	vmul.u32 $0x14, v4  }
0x56: {  	s18 =	simm.s32 $0x0;
	v4 =	vbroadcast v6, $0x0  }
0x57: {  	v6 =	vadd.s32 s18, v5  }
0x58: {  	v4 =	vadd.s32 v2, v4;
	v7 =	vand.u32 $0x78, v6  }
0x59: {  	v6 =	vand.u32 $0x7, v6;
	v7 =	vadd.s32 v7, v4  }
0x5a: {  	v6 =	vor.u32 v6, v7;
	_ =	sdelay $0x3  }
0x5b: {  	s18 =	simm.s32 $0x1  }
0x5c: {  	v8 =	vld.idx.msk [tilespmem:v6+s12+$0x0], $0xffff;
	v6 =	vadd.s32 s18, v5  }
0x5d: {  	v7 =	vand.u32 $0x78, v6  }
0x5e: {  	v6 =	vand.u32 $0x7, v6;
	v7 =	vadd.s32 v7, v4  }
0x5f: {  	v6 =	vor.u32 v6, v7;
	_ =	sdelay $0x2  }
0x60: {  	s18 =	simm.s32 $0x2  }
0x61: {  	s1 =	smov.u32 s15;
	v7 =	vadd.s32 s18, v5;
	s18 =	simm.s32 $0x3;
	[tilespmem:s15+$0x0] =	vst v8  }
.LBB2_8:
0x62: {  	p0 =	sne.s32 s18, $0x13;
	v8 =	vand.u32 $0x78, v7;
	v9 =	vld.idx.msk [tilespmem:v6+s12+$0x0], $0xffff  }
0x63: {  	v6 =	vand.u32 $0x7, v7;
	v7 =	vadd.s32 v8, v4  }
.Ltmp2:
0x64: {  	v6 =	vor.u32 v6, v7;
	(pc) =	sbr.rel @p0 .LBB2_8-.Ltmp2, $3  }
0x65: {  	_ =	sdelay $0x1  }
0x66: {  	s1 =	sadd.s32 $0x200, s1  }
0x67: {  	v7 =	vadd.s32 s18, v5;
	s18 =	sadd.s32 $0x1, s18;
	[tilespmem:s1+$0x0] =	vst v9  }
0x68: {  	_ =	sdelay $0x2  }
0x69: {  	v5 =	vand.u32 $0x78, v7  }
0x6a: {  	v6 =	vld.idx.msk [tilespmem:v6+s12+$0x0], $0xffff;
	v63 =	vand.u32 $0x7, v7;
	v4 =	vadd.s32 v5, v4  }
0x6b: {  	v4 =	vor.u32 v63, v4;
	_ =	sdelay $0x2  }
0x6c: {  	s1 =	sadd.s32 $0x200, s1  }
0x6d: {  	s16 =	sadd.s32 $0x1, s16;
	[tilespmem:s1+$0x0] =	vst v6  }
0x6e: {  	p0 =	seq.s32 s16, $0x8;
	v4 =	vld.idx.msk [tilespmem:v4+s12+$0x0], $0xffff  }
.Ltmp3:
0x6f: {  	_ = 	snop;
	(pc) =	sbr.rel @!p0 .LBB2_7-.Ltmp3, $3  }
0x70: {  	_ =	sdelay $0x1  }
0x71: {  	s1 =	sadd.s32 $0x200, s1  }
0x72: {  	s15 =	sadd.s32 $0x10, s15;
	[tilespmem:s1+$0x0] =	vst v4  }
0x73: {  	s1 =	sshll.u32 s0, $0xD  }
0x74: {  	s1 =	sand.u32 $0x3FFFE000, s1  }
0x75: {  	s13 =	sadd.s32 $0xA, s0;
	s1 =	sadd.s32 $0xDE00, s1  }
0x76: {  	[tilespmem:s1], [sflag:s13] =	stream.indirect.gather.add.f32 [hbm:s4], $0x40, s14, s10, $0x2000b8;
	[tilespmem:$0x1E000] =	vst v63  }
0x77: {  	s15 =	sadd.s32 $0xB800, s31  }
0x78: {  	[tilespmem:s1], [sflag:s13] =	stream.indirect.gather.add.f32 [hbm:s4], $0x40, s15, s10, $0x2000b8;
	[tilespmem:$0x1E000] =	vst v63  }
0x79: {  	s16 =	sadd.s32 $0xBA00, s31  }
0x7a: {  	[tilespmem:s1], [sflag:s13] =	stream.indirect.gather.add.f32 [hbm:s4], $0x40, s16, s10, $0x2000b8;
	[tilespmem:$0x1E000] =	vst v63  }
0x7b: {  	s18 =	sadd.s32 $0xBC00, s31  }
0x7c: {  	[tilespmem:s1], [sflag:s13] =	stream.indirect.gather.add.f32 [hbm:s4], $0x40, s18, s10, $0x2000b8;
	[tilespmem:$0x1E000] =	vst v63  }
0x7d: {  	s15 =	sadd.s32 $0xBE00, s31  }
0x7e: {  	[tilespmem:s1], [sflag:s13] =	stream.indirect.gather.add.f32 [hbm:s4], $0x40, s15, s10, $0x2000b8;
	[tilespmem:$0x1E000] =	vst v63  }
0x7f: {  	s16 =	sadd.s32 $0xC000, s31  }
0x80: {  	[tilespmem:s1], [sflag:s13] =	stream.indirect.gather.add.f32 [hbm:s4], $0x40, s16, s10, $0x2000b8;
	[tilespmem:$0x1E000] =	vst v63  }
0x81: {  	s18 =	sadd.s32 $0xC200, s31  }
0x82: {  	[tilespmem:s1], [sflag:s13] =	stream.indirect.gather.add.f32 [hbm:s4], $0x40, s18, s10, $0x2000b8;
	[tilespmem:$0x1E000] =	vst v63  }
0x83: {  	s15 =	sadd.s32 $0xC400, s31  }
0x84: {  	[tilespmem:s1], [sflag:s13] =	stream.indirect.gather.add.f32 [hbm:s4], $0x40, s15, s10, $0x2000b8;
	[tilespmem:$0x1E000] =	vst v63  }
0x85: {  	s16 =	sadd.s32 $0xC600, s31  }
0x86: {  	[tilespmem:s1], [sflag:s13] =	stream.indirect.gather.add.f32 [hbm:s4], $0x40, s16, s10, $0x2000b8;
	[tilespmem:$0x1E000] =	vst v63  }
0x87: {  	s18 =	sadd.s32 $0xC800, s31  }
0x88: {  	[tilespmem:s1], [sflag:s13] =	stream.indirect.gather.add.f32 [hbm:s4], $0x40, s18, s10, $0x2000b8;
	[tilespmem:$0x1E000] =	vst v63  }
0x89: {  	s15 =	sadd.s32 $0xCA00, s31  }
0x8a: {  	[tilespmem:s1], [sflag:s13] =	stream.indirect.gather.add.f32 [hbm:s4], $0x40, s15, s10, $0x2000b8;
	[tilespmem:$0x1E000] =	vst v63  }
0x8b: {  	s16 =	sadd.s32 $0xCC00, s31  }
0x8c: {  	[tilespmem:s1], [sflag:s13] =	stream.indirect.gather.add.f32 [hbm:s4], $0x40, s16, s10, $0x2000b8;
	[tilespmem:$0x1E000] =	vst v63  }
0x8d: {  	s18 =	sadd.s32 $0xCE00, s31  }
0x8e: {  	[tilespmem:s1], [sflag:s13] =	stream.indirect.gather.add.f32 [hbm:s4], $0x40, s18, s10, $0x2000b8;
	[tilespmem:$0x1E000] =	vst v63  }
0x8f: {  	s15 =	sadd.s32 $0xD000, s31  }
0x90: {  	[tilespmem:s1], [sflag:s13] =	stream.indirect.gather.add.f32 [hbm:s4], $0x40, s15, s10, $0x2000b8;
	[tilespmem:$0x1E000] =	vst v63  }
0x91: {  	s16 =	sadd.s32 $0xD200, s31  }
0x92: {  	[tilespmem:s1], [sflag:s13] =	stream.indirect.gather.add.f32 [hbm:s4], $0x40, s16, s10, $0x2000b8;
	[tilespmem:$0x1E000] =	vst v63  }
0x93: {  	s18 =	sadd.s32 $0xD400, s31  }
0x94: {  	[tilespmem:s1], [sflag:s13] =	stream.indirect.gather.add.f32 [hbm:s4], $0x40, s18, s10, $0x2000b8;
	[tilespmem:$0x1E000] =	vst v63  }
0x95: {  	s0 =	sadd.s32 $0x1, s0;
	s15 =	sadd.s32 $0xD600, s31  }
0x96: {  	[tilespmem:s1], [sflag:s13] =	stream.indirect.gather.add.f32 [hbm:s4], $0x40, s15, s10, $0x2000b8;
	[tilespmem:$0x1E000] =	vst v63  }
0x97: {  	p0 =	seq.s32 s0, $0x4;
	s16 =	sadd.s32 $0xD800, s31  }
0x98: {  	[tilespmem:s1], [sflag:s13] =	stream.indirect.gather.add.f32 [hbm:s4], $0x40, s16, s10, $0x2000b8;
	[tilespmem:$0x1E000] =	vst v63  }
.Ltmp4:
0x99: {  	_ = 	snop;
	(pc) =	sbr.rel @!p0 .LBB2_6-.Ltmp4, $4  }
0x9a: {  	s18 =	sadd.s32 $0xDA00, s31  }
0x9b: {  	[tilespmem:s1], [sflag:s13] =	stream.indirect.gather.add.f32 [hbm:s4], $0x40, s18, s10, $0x2000b8;
	[tilespmem:$0x1E000] =	vst v63  }
0x9c: {  	s17 =	sadd.s32 $0x80, s17;
	s31 =	sadd.s32 $0xDC00, s31  }
0x9d: {  	[tilespmem:s1], [sflag:s13] =	stream.indirect.gather.add.f32 [hbm:s4], $0x40, s31, s10, $0x2000b8;
	[tilespmem:$0x1E000] =	vst v63  }
0x9e: {  	_ =	strace $0x9000004B;
	s31 =	simm.s32 $0x0  }
0x9f: {  	s0 =	simm.s32 $0xDE20;
	s1 =	simm.s32 $0x15E30;
	_ =	strace $0x8000004C  }
.LBB2_13:
0xa0: {  	s13 =	sadd.s32 $0xA, s31  }
0xa1: {  	_ =	swait.ge [sflag:s13], $0x2000  }
0xa2: {  	[sflag:s13] =	ssyncset.done $0x0  }
0xa3: {  	[sflag:s13] =	ssyncadd.s32 $0xFFFFE000  }
0xa4: {  	_ =	swait.ge [sflag:s13], $0x2000  }
0xa5: {  	[sflag:s13] =	ssyncset.done $0x0  }
0xa6: {  	[sflag:s13] =	ssyncadd.s32 $0xFFFFE000  }
0xa7: {  	_ =	swait.ge [sflag:s13], $0x2000  }
0xa8: {  	[sflag:s13] =	ssyncset.done $0x0  }
0xa9: {  	[sflag:s13] =	ssyncadd.s32 $0xFFFFE000  }
0xaa: {  	_ =	swait.ge [sflag:s13], $0x2000  }
0xab: {  	[sflag:s13] =	ssyncset.done $0x0  }
0xac: {  	[sflag:s13] =	ssyncadd.s32 $0xFFFFE000  }
0xad: {  	_ =	swait.ge [sflag:s13], $0x2000  }
0xae: {  	[sflag:s13] =	ssyncset.done $0x0  }
0xaf: {  	[sflag:s13] =	ssyncadd.s32 $0xFFFFE000  }
0xb0: {  	_ =	swait.ge [sflag:s13], $0x2000  }
0xb1: {  	[sflag:s13] =	ssyncset.done $0x0  }
0xb2: {  	[sflag:s13] =	ssyncadd.s32 $0xFFFFE000  }
0xb3: {  	_ =	swait.ge [sflag:s13], $0x2000  }
0xb4: {  	[sflag:s13] =	ssyncset.done $0x0  }
0xb5: {  	[sflag:s13] =	ssyncadd.s32 $0xFFFFE000  }
0xb6: {  	_ =	swait.ge [sflag:s13], $0x2000  }
0xb7: {  	[sflag:s13] =	ssyncset.done $0x0  }
0xb8: {  	[sflag:s13] =	ssyncadd.s32 $0xFFFFE000  }
0xb9: {  	_ =	swait.ge [sflag:s13], $0x2000  }
0xba: {  	[sflag:s13] =	ssyncset.done $0x0  }
0xbb: {  	[sflag:s13] =	ssyncadd.s32 $0xFFFFE000  }
0xbc: {  	_ =	swait.ge [sflag:s13], $0x2000  }
0xbd: {  	[sflag:s13] =	ssyncset.done $0x0  }
0xbe: {  	[sflag:s13] =	ssyncadd.s32 $0xFFFFE000  }
0xbf: {  	_ =	swait.ge [sflag:s13], $0x2000  }
0xc0: {  	[sflag:s13] =	ssyncset.done $0x0  }
0xc1: {  	[sflag:s13] =	ssyncadd.s32 $0xFFFFE000  }
0xc2: {  	_ =	swait.ge [sflag:s13], $0x2000  }
0xc3: {  	[sflag:s13] =	ssyncset.done $0x0  }
0xc4: {  	[sflag:s13] =	ssyncadd.s32 $0xFFFFE000  }
0xc5: {  	_ =	swait.ge [sflag:s13], $0x2000  }
0xc6: {  	[sflag:s13] =	ssyncset.done $0x0  }
0xc7: {  	[sflag:s13] =	ssyncadd.s32 $0xFFFFE000  }
0xc8: {  	_ =	swait.ge [sflag:s13], $0x2000  }
0xc9: {  	[sflag:s13] =	ssyncset.done $0x0  }
0xca: {  	[sflag:s13] =	ssyncadd.s32 $0xFFFFE000  }
0xcb: {  	_ =	swait.ge [sflag:s13], $0x2000  }
0xcc: {  	[sflag:s13] =	ssyncset.done $0x0  }
0xcd: {  	[sflag:s13] =	ssyncadd.s32 $0xFFFFE000  }
0xce: {  	_ =	swait.ge [sflag:s13], $0x2000  }
0xcf: {  	[sflag:s13] =	ssyncset.done $0x0  }
0xd0: {  	[sflag:s13] =	ssyncadd.s32 $0xFFFFE000  }
0xd1: {  	_ =	swait.ge [sflag:s13], $0x2000  }
0xd2: {  	[sflag:s13] =	ssyncset.done $0x0  }
0xd3: {  	[sflag:s13] =	ssyncadd.s32 $0xFFFFE000  }
0xd4: {  	_ =	swait.ge [sflag:s13], $0x2000  }
0xd5: {  	[sflag:s13] =	ssyncset.done $0x0  }
0xd6: {  	[sflag:s13] =	ssyncadd.s32 $0xFFFFE000  }
0xd7: {  	_ =	swait.ge [sflag:s13], $0x2000  }
0xd8: {  	[sflag:s13] =	ssyncset.done $0x0  }
0xd9: {  	[sflag:s13] =	ssyncadd.s32 $0xFFFFE000  }
0xda: {  	_ =	swait.ge [sflag:s13], $0x2000  }
0xdb: {  	v3 =	vmov s1;
	[sflag:s13] =	ssyncset.done $0x0  }
0xdc: {  	s17 =	sadd.s32 $0x6, s31;
	v4 =	vmov s0;
	[sflag:s13] =	ssyncadd.s32 $0xFFFFE000  }
0xdd: {  	_ =	swait.ge [sflag:s17], $0x2000  }
0xde: {  	[sflag:s17] =	ssyncset.done $0x0  }
0xdf: {  	s18 =	simm.s32 $0x0;
	[sflag:s17] =	ssyncadd.s32 $0xFFFFE000  }
0xe0: {  	v5 =	vld.idx.msk [tilespmem:v3+s18+$0xFFFFFFD0 ss:$0x1], $0xffff  }
0xe1: {  	v6 =	vld.idx.msk [tilespmem:v4+s18+$0xFFFFFFE0 ss:$0x1], $0xffff  }
0xe2: {  	v7 =	vld.idx.msk [tilespmem:v4+s18+$0xFFFFFFF0 ss:$0x1], $0xffff  }
0xe3: {  	v8 =	vld.idx.msk [tilespmem:v3+s18+$0xFFFFFFE0 ss:$0x1], $0xffff  }
0xe4: {  	v9 =	vld.idx.msk [tilespmem:v4+s18+$0x0 ss:$0x1], $0xffff  }
0xe5: {  	v10 =	vld.idx.msk [tilespmem:v3+s18+$0xFFFFFFF0 ss:$0x1], $0xffff  }
0xe6: {  	v11 =	vld.idx.msk [tilespmem:v4+s18+$0x10 ss:$0x1], $0xffff;
	v5 =	vmul.f32 v5, v6  }
0xe7: {  	v6 =	vld.idx.msk [tilespmem:v3+s18+$0x0 ss:$0x1], $0xffff  }
0xe8: {  	v7 =	vmul.f32 v8, v7;
	v5 =	vadd.f32 $0.0e+00, v5;
	_ =	sdelay $0x1  }
0xe9: {  	v5 =	vadd.f32 v7, v5;
	v7 =	vmul.f32 v10, v9;
	_ =	sdelay $0x1  }
0xea: {  	v6 =	vmul.f32 v6, v11;
	v5 =	vadd.f32 v7, v5;
	_ =	sdelay $0x1  }
0xeb: {  	v5 =	vadd.f32 v6, v5;
	_ =	sdelay $0x1  }
0xec: {  	(xrf2) =	vadd.scan.msk.f32 $0xffff, v5;
	_ =	sdelay $0x4  }
0xed: {  	s13 =	sshll.u32 s31, $0x7  }
0xee: {  	v5 =	vmov s13;
	_ =	sdelay $0x3  }
0xef: {  	v6, _, _ =	vpop (xrf2)  }
0xf0: {  	s15 =	simm.s32 $0x40;
	[tilespmem:v5+s28+$0x0] =	vst.idx.msk vm0, v6  }
0xf1: {  	s14 =	simm.s32 $0x200;
	v5 =	vld.idx.msk [tilespmem:v3+s15+$0xFFFFFFD0 ss:$0x1], $0xffff  }
.LBB2_14:
0xf2: {  	p0 =	seq.s32 s14, $0x7F00;
	v6 =	vld.idx.msk [tilespmem:v4+s15+$0xFFFFFFE0 ss:$0x1], $0xffff  }
0xf3: {  	v7 =	vld.idx.msk [tilespmem:v4+s15+$0xFFFFFFF0 ss:$0x1], $0xffff  }
0xf4: {  	v8 =	vld.idx.msk [tilespmem:v3+s15+$0xFFFFFFE0 ss:$0x1], $0xffff  }
0xf5: {  	v9 =	vld.idx.msk [tilespmem:v4+s15+$0x0 ss:$0x1], $0xffff  }
0xf6: {  	v10 =	vld.idx.msk [tilespmem:v3+s15+$0xFFFFFFF0 ss:$0x1], $0xffff  }
0xf7: {  	v11 =	vld.idx.msk [tilespmem:v4+s15+$0x10 ss:$0x1], $0xffff  }
0xf8: {  	v5 =	vmul.f32 v5, v6;
	v6 =	vld.idx.msk [tilespmem:v3+s15+$0x0 ss:$0x1], $0xffff;
	_ =	sdelay $0x1  }
0xf9: {  	v5 =	vadd.f32 $0.0e+00, v5;
	v7 =	vmul.f32 v8, v7;
	_ =	sdelay $0x1  }
0xfa: {  	v5 =	vadd.f32 v7, v5;
	v7 =	vmul.f32 v10, v9;
	_ =	sdelay $0x1  }
0xfb: {  	v5 =	vadd.f32 v7, v5;
	v6 =	vmul.f32 v6, v11;
	_ =	sdelay $0x1  }
0xfc: {  	v5 =	vadd.f32 v6, v5;
	_ =	sdelay $0x1  }
0xfd: {  	(xrf2) =	vadd.scan.msk.f32 $0xffff, v5;
	_ =	sdelay $0x4  }
0xfe: {  	s13 =	sadd.s32 $0x1, s13  }
0xff: {  	v5 =	vmov s13;
	_ =	sdelay $0x1  }
.Ltmp5:
0x100: {  	(pc) =	sbr.rel @!p0 .LBB2_14-.Ltmp5, $4  }
0x101: {  	_ = 	snop  }
0x102: {  	v6, _, _ =	vpop (xrf2)  }
0x103: {  	s15 =	sshra.s32 s14, $0x2;
	[tilespmem:v5+s28+$0x0] =	vst.idx.msk vm0, v6  }
0x104: {  	s14 =	sadd.s32 $0x100, s14;
	v5 =	vld.idx.msk [tilespmem:v3+s15+$0xFFFFFFD0 ss:$0x1], $0xffff  }
0x105: {  	_ =	sdelay $0x3  }
0x106: {  	v6 =	vld.idx.msk [tilespmem:v4+s15+$0xFFFFFFE0 ss:$0x1], $0xffff  }
0x107: {  	v7 =	vld.idx.msk [tilespmem:v4+s15+$0xFFFFFFF0 ss:$0x1], $0xffff  }
0x108: {  	v8 =	vld.idx.msk [tilespmem:v3+s15+$0xFFFFFFE0 ss:$0x1], $0xffff  }
0x109: {  	v9 =	vld.idx.msk [tilespmem:v4+s15+$0x0 ss:$0x1], $0xffff  }
0x10a: {  	v10 =	vld.idx.msk [tilespmem:v3+s15+$0xFFFFFFF0 ss:$0x1], $0xffff  }
0x10b: {  	v60 =	vld.idx.msk [tilespmem:v4+s15+$0x10 ss:$0x1], $0xffff;
	v5 =	vmul.f32 v5, v6  }
0x10c: {  	v3 =	vld.idx.msk [tilespmem:v3+s15+$0x0 ss:$0x1], $0xffff  }
0x10d: {  	v61 =	vmul.f32 v8, v7;
	v5 =	vadd.f32 $0.0e+00, v5;
	_ =	sdelay $0x1  }
0x10e: {  	v62 =	vmul.f32 v10, v9;
	v5 =	vadd.f32 v61, v5;
	_ =	sdelay $0x1  }
0x10f: {  	v3 =	vmul.f32 v3, v60;
	v5 =	vadd.f32 v62, v5;
	_ =	sdelay $0x1  }
0x110: {  	v3 =	vadd.f32 v3, v5;
	_ =	sdelay $0x1  }
0x111: {  	(xrf2) =	vadd.scan.msk.f32 $0xffff, v3;
	_ =	sdelay $0x4  }
0x112: {  	s13 =	sadd.s32 $0x1, s13  }
0x113: {  	v3 =	vmov s13;
	_ =	sdelay $0x3  }
0x114: {  	v63, _, _ =	vpop (xrf2)  }
0x115: {  	[tilespmem:v3+s28+$0x0] =	vst.idx.msk vm0, v63  }
0x116: {  	s31 =	sadd.s32 $0x1, s31  }
0x117: {  	p0 =	seq.s32 s31, $0x4  }
.Ltmp6:
0x118: {  	_ = 	snop;
	(pc) =	sbr.rel @!p0 .LBB2_13-.Ltmp6, $2  }
0x119: {  	_ =	sdelay $0x2  }
0x11a: {  	s0 =	sadd.s32 $0x2000, s0;
	s1 =	sadd.s32 $0x2000, s1  }
0x11b: {  	s30 =	sadd.s32 $0x1, s30  }
0x11c: {  	p0 =	sne.s32 s30, s8  }
.Ltmp7:
0x11d: {  	_ =	strace $0x9000004C;
	(pc) =	sbr.rel @p0 .LBB2_1-.Ltmp7, $4  }
0x11e: {  	[hbm4b:s7+s2] =	stream.linear.scatter [tilespmem:s28], [sflag:$0xE], $0x200, $0x38;
	[tilespmem:$0x1E000] =	vst v63  }
0x11f: {  	_ =	swait.ge [sflag:s29], $0x200  }
0x120: {  	[sflag:s29] =	ssyncset.done $0x0  }
0x121: {  	[sflag:s29] =	ssyncadd.s32 $0xFFFFFE00  }
0x122: {  	_ =	sfence.sel $0x180000  }
0x123: {  	[bflag:$0x0] =	sbarrier.arrive $0xFFFF  }
0x124: {  	_ =	strace $0x90000047  }
0x125: {  	s0 =	stileid.u32;
	[bflag:$0x2] =	sbarrier.arrive $0xFFFF  }
0x126: {  	p0 =	sne.s32 s0, $0x0;
	s0 =	rddreg [dreg:$0x2]  }
0x127: {  	s0 =	sadd.s32 @!p0 $0x100000, s0  }
0x128: {  	[sflag:s0] =	ssyncadd.tile.s32 @!p0 $0x1;
	_ =	shalt  }
.Lfunc_end2:
_tile_overlayer_lowered:
.L_overlay_start_2:
0x129: {  	(tag) =	ssettag $0x2  }
0x12a: {  	s0 =	rddreg [dreg:$0x0];
	s2 =	stileid.u32  }
0x12b: {  	s1 =	rddreg [dreg:$0x1];
	p0 =	sne.s32 s2, $0x0  }
0x12c: {  	s3 =	rddreg [dreg:$0x2];
	[bflag:$0x3] =	sbarrier.arrive $0xFFFF;
	s2 =	simm.s32 @!p0 $0x1C0E  }
0x12d: {  	[timem:s3], [sflag:s2] =	dma.local @!p0 [hbm:s0], s1  }
0x12e: {  	s0 =	simm.s32 @!p0 $0xE  }
0x12f: {  	_ =	swait.ge @!p0 [sflag:s0], s1  }
0x130: {  	s1 =	ssub.s32 @!p0 $0x0, s1;
	[sflag:s0] =	ssyncset.done @!p0 $0x0  }
0x131: {  	[sflag:s0] =	ssyncadd.s32 @!p0 s1  }
0x132: {  	[bflag:$0x3] =	sbarrier.arrive $0xFFFF  }
0x133: {  	_ =	shalt  }

</sc_bundles>
